<compile_context>
chip_gen: v7x
topology: tpu7x:2x2x1
jax: 0.10.2.dev20260603
libtpu: 0.0.44.dev20260713+nightly
codegen_flags: <defaults>
</compile_context>

<pallas_src>
import functools

import jax
import jax.numpy as jnp
from jax import lax
from jax.experimental import pallas as pl
from jax.experimental.pallas import tpu as pltpu
from jax.experimental.pallas import tpu_sc as plsc

N = 10000
E = 320000
D = 128
DO = 64

NC = 2
NS = 16
NW = NC * NS
K = 128

N_PAD = 10112
RPT = N_PAD // NS
CHUNK = ((E + NW * K - 1) // (NW * K)) * K
STEPS = CHUNK // K
E_PAD = CHUNK * NW

_mesh = plsc.VectorSubcoreMesh(core_axis_name="c", subcore_axis_name="s")



@functools.partial(
    pl.kernel,
    out_type=jax.ShapeDtypeStruct((NC, N_PAD, D), jnp.float32),
    mesh=_mesh,
    scratch_types=[
        pltpu.VMEM((K,), jnp.int32),
        pltpu.VMEM((K,), jnp.int32),
        pltpu.VMEM((K, D), jnp.float32),
        pltpu.VMEM_SHARED((N_PAD, D), jnp.float32),
        pltpu.SemaphoreType.DMA,
        pltpu.SemaphoreType.DMA,
    ],
)
def _deg_kernel(e0_hbm, z_hbm, col_hbm, out_hbm, col_v0, col_v1, ones_v,
                hist_sh, csem0, csem1):
    cid = lax.axis_index("c")
    sid = lax.axis_index("s")
    r0 = sid * RPT
    pltpu.sync_copy(z_hbm.at[cid].at[pl.ds(r0, RPT)], hist_sh.at[pl.ds(r0, RPT)])
    pltpu.sync_copy(e0_hbm, ones_v)
    plsc.subcore_barrier()
    base = (sid * NC + cid) * CHUNK

    pltpu.async_copy(col_hbm.at[pl.ds(base, K)], col_v0, csem0)
    pltpu.async_copy(col_hbm.at[pl.ds(base + K, K)], col_v1, csem1)

    def step(j, carry):
        i = 2 * j
        pltpu.make_async_copy(col_hbm.at[pl.ds(base + i * K, K)], col_v0,
                              csem0).wait()
        pltpu.sync_copy(ones_v, hist_sh.at[col_v0], add=True)
        pltpu.async_copy(col_hbm.at[pl.ds(base + (i + 2) * K, K)], col_v0,
                         csem0)
        pltpu.make_async_copy(col_hbm.at[pl.ds(base + (i + 1) * K, K)],
                              col_v1, csem1).wait()
        pltpu.sync_copy(ones_v, hist_sh.at[col_v1], add=True)
        pltpu.async_copy(col_hbm.at[pl.ds(base + (i + 3) * K, K)], col_v1,
                         csem1)
        return carry

    lax.fori_loop(0, STEPS // 2 - 1, step, 0)
    pltpu.make_async_copy(col_hbm.at[pl.ds(base + (STEPS - 3) * K, K)],
                          col_v0, csem0).wait()
    pltpu.sync_copy(ones_v, hist_sh.at[col_v0], add=True)
    pltpu.async_copy(col_hbm.at[pl.ds(base + (STEPS - 1) * K, K)], col_v0,
                     csem0)
    pltpu.make_async_copy(col_hbm.at[pl.ds(base + (STEPS - 2) * K, K)],
                          col_v1, csem1).wait()
    pltpu.sync_copy(ones_v, hist_sh.at[col_v1], add=True)
    pltpu.make_async_copy(col_hbm.at[pl.ds(base + (STEPS - 1) * K, K)],
                          col_v0, csem0).wait()
    pltpu.sync_copy(ones_v, hist_sh.at[col_v0], add=True)
    plsc.subcore_barrier()
    pltpu.sync_copy(hist_sh.at[pl.ds(r0, RPT)], out_hbm.at[cid, pl.ds(r0, RPT)])


@functools.partial(
    pl.kernel,
    out_type=jax.ShapeDtypeStruct((NC, N_PAD, D), jnp.float32),
    mesh=_mesh,
    scratch_types=[
        pltpu.VMEM((K,), jnp.int32),
        pltpu.VMEM((K,), jnp.int32),
        pltpu.VMEM((K,), jnp.int32),
        pltpu.VMEM((K,), jnp.int32),
        pltpu.VMEM((K, D), jnp.float32),
        pltpu.VMEM((K, D), jnp.float32),
        pltpu.VMEM_SHARED((N_PAD, D), jnp.float32),
        pltpu.SemaphoreType.DMA,
        pltpu.SemaphoreType.DMA,
    ],
)
def _agg_kernel(hs_hbm, z_hbm, row_hbm, col_hbm, out_hbm, row_v0, row_v1,
                col_v0, col_v1, buf0, buf1, acc_sh, sem0, sem1):
    cid = lax.axis_index("c")
    sid = lax.axis_index("s")
    r0 = sid * RPT
    base = (sid * NC + cid) * CHUNK
    pltpu.sync_copy(z_hbm.at[cid].at[pl.ds(r0, RPT)], acc_sh.at[pl.ds(r0, RPT)])
    plsc.subcore_barrier()

    hs_own = hs_hbm.at[cid]
    pltpu.sync_copy(row_hbm.at[pl.ds(base, K)], row_v0)
    pltpu.async_copy(hs_own.at[row_v0], buf0, sem0)
    pltpu.sync_copy(row_hbm.at[pl.ds(base + K, K)], row_v1)
    pltpu.async_copy(hs_own.at[row_v1], buf1, sem1)

    def step(j, carry):
        i = 2 * j
        pltpu.make_async_copy(hs_own.at[row_v0], buf0, sem0).wait()
        pltpu.sync_copy(col_hbm.at[pl.ds(base + i * K, K)], col_v0)
        pltpu.sync_copy(buf0, acc_sh.at[col_v0], add=True)
        pltpu.sync_copy(row_hbm.at[pl.ds(base + (i + 2) * K, K)], row_v0)
        pltpu.async_copy(hs_own.at[row_v0], buf0, sem0)
        pltpu.make_async_copy(hs_own.at[row_v1], buf1, sem1).wait()
        pltpu.sync_copy(col_hbm.at[pl.ds(base + (i + 1) * K, K)], col_v1)
        pltpu.sync_copy(buf1, acc_sh.at[col_v1], add=True)
        pltpu.sync_copy(row_hbm.at[pl.ds(base + (i + 3) * K, K)], row_v1)
        pltpu.async_copy(hs_own.at[row_v1], buf1, sem1)
        return carry

    lax.fori_loop(0, STEPS // 2 - 1, step, 0)
    pltpu.make_async_copy(hs_own.at[row_v0], buf0, sem0).wait()
    pltpu.sync_copy(col_hbm.at[pl.ds(base + (STEPS - 3) * K, K)], col_v0)
    pltpu.sync_copy(buf0, acc_sh.at[col_v0], add=True)
    pltpu.sync_copy(row_hbm.at[pl.ds(base + (STEPS - 1) * K, K)], row_v0)
    pltpu.async_copy(hs_own.at[row_v0], buf0, sem0)
    pltpu.make_async_copy(hs_own.at[row_v1], buf1, sem1).wait()
    pltpu.sync_copy(col_hbm.at[pl.ds(base + (STEPS - 2) * K, K)], col_v1)
    pltpu.sync_copy(buf1, acc_sh.at[col_v1], add=True)
    pltpu.make_async_copy(hs_own.at[row_v0], buf0, sem0).wait()
    pltpu.sync_copy(col_hbm.at[pl.ds(base + (STEPS - 1) * K, K)], col_v0)
    pltpu.sync_copy(buf0, acc_sh.at[col_v0], add=True)
    plsc.subcore_barrier()
    pltpu.sync_copy(acc_sh.at[pl.ds(r0, RPT)], out_hbm.at[cid, pl.ds(r0, RPT)])



BN = 632
GRID = N_PAD // BN


def _s_of(dref):
    deg = dref[0, :, 0:1] + dref[1, :, 0:1] + 1.0
    return lax.rsqrt(deg)


def _layer_a_body(d_ref, x_ref, w_ref, o_ref):
    s = _s_of(d_ref)
    v = s * jnp.dot(x_ref[...], w_ref[...],
                    preferred_element_type=jnp.float32)
    o_ref[...] = jnp.broadcast_to(v[None], (2,) + v.shape)


def _layer_b_body(d_ref, p_ref, hs_ref, b_ref, w_ref, o_ref):
    s = _s_of(d_ref)
    t = jnp.maximum(s * (p_ref[0] + p_ref[1] + hs_ref[0]) + b_ref[...], 0.0)
    v = s * jnp.dot(t, w_ref[...], preferred_element_type=jnp.float32)
    o_ref[...] = jnp.broadcast_to(v[None], (2,) + v.shape)


def _layer_c_body(d_ref, p_ref, hs_ref, b_ref, w_ref, bo_ref, o_ref):
    s = _s_of(d_ref)
    t = jnp.maximum(s * (p_ref[0] + p_ref[1] + hs_ref[0]) + b_ref[...], 0.0)
    logits = jnp.dot(t, w_ref[...], preferred_element_type=jnp.float32)
    logits = logits + bo_ref[...]
    m = jnp.max(logits, axis=1, keepdims=True)
    lse = m + jnp.log(jnp.sum(jnp.exp(logits - m), axis=1, keepdims=True))
    o_ref[...] = logits - lse


_d_spec = pl.BlockSpec((2, BN, D), lambda i: (0, i, 0))
_p_spec = pl.BlockSpec((2, BN, D), lambda i: (0, i, 0))
_row_spec = pl.BlockSpec((BN, D), lambda i: (i, 0))
_w_spec = pl.BlockSpec((D, D), lambda i: (0, 0))
_wo_spec = pl.BlockSpec((D, DO), lambda i: (0, 0))
_b_spec = pl.BlockSpec((1, D), lambda i: (0, 0))
_bo_spec = pl.BlockSpec((1, DO), lambda i: (0, 0))

_hs_spec = pl.BlockSpec((1, BN, D), lambda i: (0, i, 0))
_dup_spec = pl.BlockSpec((2, BN, D), lambda i: (0, i, 0))

_layer_a = pl.pallas_call(
    _layer_a_body,
    grid=(GRID,),
    in_specs=[_d_spec, _row_spec, _w_spec],
    out_specs=_dup_spec,
    out_shape=jax.ShapeDtypeStruct((2, N_PAD, D), jnp.float32),
)

_layer_b = pl.pallas_call(
    _layer_b_body,
    grid=(GRID,),
    in_specs=[_d_spec, _p_spec, _hs_spec, _b_spec, _w_spec],
    out_specs=_dup_spec,
    out_shape=jax.ShapeDtypeStruct((2, N_PAD, D), jnp.float32),
)

_layer_c = pl.pallas_call(
    _layer_c_body,
    grid=(GRID,),
    in_specs=[_d_spec, _p_spec, _hs_spec, _b_spec, _wo_spec, _bo_spec],
    out_specs=pl.BlockSpec((BN, DO), lambda i: (i, 0)),
    out_shape=jax.ShapeDtypeStruct((N_PAD, DO), jnp.float32),
)


def kernel(x, edge_index, W1, b1, W2, b2, Wout, bout):
    row = edge_index[0].astype(jnp.int32)
    col = edge_index[1].astype(jnp.int32)
    pad = E_PAD - E
    row_p = jnp.concatenate([row, jnp.full((pad,), N, jnp.int32)])
    col_p = jnp.concatenate([col, jnp.full((pad,), N, jnp.int32)])
    x_pad = jnp.pad(x, ((0, N_PAD - N), (0, 0)))

    e0 = jnp.zeros((K, D), jnp.float32).at[:, 0].set(1.0)
    z_rows = jnp.zeros((NC, N_PAD, D), jnp.float32)

    degp = _deg_kernel(e0, z_rows, col_p)
    hs1 = _layer_a(degp, x_pad, W1)
    p1 = _agg_kernel(hs1, z_rows, row_p, col_p)
    hs2 = _layer_b(degp, p1, hs1, b1.reshape(1, D), W2)
    p2 = _agg_kernel(hs2, z_rows, row_p, col_p)
    outp = _layer_c(degp, p2, hs2, b2.reshape(1, D), Wout, bout.reshape(1, DO))
    return outp[:N]

# --- scband reference (transcript-rebuilt; emitter-appended) ---
"""Pipeline reference for scband-gnn-model-6906307412125 (READ-ONLY COPY).

The authoritative reference and input builder live on the scoring server;
editing this copy changes nothing except your own understanding.
"""

import jax, jax.numpy as jnp
import numpy as np

N = 10000
E = 320000
D_IN = 128
D_HID = 128
D_OUT = 64


def setup_inputs(seed: int = 0) -> dict:
    key = jax.random.key(seed)
    ks = jax.random.split(key, 9)
    x = jax.random.normal(ks[0], (N, D_IN), dtype=jnp.float32)
    edge_index = jax.random.randint(ks[1], (2, E), 0, N, dtype=jnp.int32)
    # Xavier-ish init for learned params (GCNConv lin weights + biases, output Linear)
    W1 = jax.random.normal(ks[2], (D_IN, D_HID), dtype=jnp.float32) * (2.0 / (D_IN + D_HID)) ** 0.5
    b1 = jnp.zeros((D_HID,), dtype=jnp.float32)
    W2 = jax.random.normal(ks[3], (D_HID, D_HID), dtype=jnp.float32) * (2.0 / (D_HID + D_HID)) ** 0.5
    b2 = jnp.zeros((D_HID,), dtype=jnp.float32)
    Wout = jax.random.normal(ks[4], (D_HID, D_OUT), dtype=jnp.float32) * (2.0 / (D_HID + D_OUT)) ** 0.5
    bout = jnp.zeros((D_OUT,), dtype=jnp.float32)
    return {"x": x, "edge_index": edge_index, "W1": W1, "b1": b1, "W2": W2, "b2": b2, "Wout": Wout, "bout": bout}


def _gcn_layer(x, ei, W, b):
    # PyG GCNConv: out = D^{-1/2} (A + I) D^{-1/2} X W + b (self-loops already in ei)
    row = ei[0]
    col = ei[1]
    deg = jax.ops.segment_sum(jnp.ones(ei.shape[1], dtype=x.dtype), col, num_segments=N)
    dinv = jnp.where(deg > 0, deg ** -0.5, 0.0)
    norm = dinv[row] * dinv[col]
    h = x @ W
    msg = norm[:, None] * jnp.take(h, row, axis=0)
    agg = jax.ops.segment_sum(msg, col, num_segments=N)
    return agg + b


def reference(x, edge_index, W1, b1, W2, b2, Wout, bout):
    # add self loops
    loops = jnp.arange(N, dtype=edge_index.dtype)
    ei = jnp.concatenate([edge_index, jnp.stack([loops, loops])], axis=1)
    # layer 1: GCN -> ReLU (dropout is identity in eval)
    h = jax.nn.relu(_gcn_layer(x, ei, W1, b1))
    # layer 2: GCN -> ReLU
    h = jax.nn.relu(_gcn_layer(h, ei, W2, b2))
    # output linear + log_softmax
    logits = h @ Wout + bout
    return jax.nn.log_softmax(logits, axis=1)

if __name__ == "__main__":
    import jax
    _d = setup_inputs()
    print(jax.jit(kernel)(*tuple(_d.values())))

</pallas_src>

<mosaic_0001>
#map = affine_map<(d0, d1) -> (0, 0, 0)>
#map1 = affine_map<(d0, d1) -> (0)>
module attributes {stable_mosaic.version = 14 : i64} {
  func.func @_agg_kernel(%arg0: i32, %arg1: i32, %arg2: memref<2x10112x128xf32, #tpu.memory_space<hbm>>, %arg3: memref<2x10112x128xf32, #tpu.memory_space<hbm>>, %arg4: memref<323584xi32, #tpu.memory_space<hbm>>, %arg5: memref<323584xi32, #tpu.memory_space<hbm>>, %arg6: memref<2x10112x128xf32, #tpu.memory_space<hbm>>, %arg7: memref<128xi32, #tpu.memory_space<vmem>>, %arg8: memref<128xi32, #tpu.memory_space<vmem>>, %arg9: memref<128xi32, #tpu.memory_space<vmem>>, %arg10: memref<128xi32, #tpu.memory_space<vmem>>, %arg11: memref<128x128xf32, #tpu.memory_space<vmem>>, %arg12: memref<128x128xf32, #tpu.memory_space<vmem>>, %arg13: memref<10112x128xf32, #tpu.memory_space<vmem_shared>>, %arg14: memref<!tpu.dma_semaphore, #tpu.memory_space<semaphore_mem>>, %arg15: memref<!tpu.dma_semaphore, #tpu.memory_space<semaphore_mem>>) attributes {dimension_semantics = [#tpu.dimension_semantics<core_parallel>, #tpu.dimension_semantics<subcore_parallel>], iteration_bounds = array<i64: 2, 16>, scalar_prefetch = 0 : i64, scratch_operands = 9 : i64, tpu.core_type = #tpu.core_type<sc_vector_subcore>, window_params = [{transform_indices = #map}, {transform_indices = #map}, {transform_indices = #map1}, {transform_indices = #map1}, {transform_indices = #map}]} {
    %mul3A = arith.constant 632 : i32
    %mul3A_0 = arith.muli %arg1, %mul3A : i32
    %mul3A_1 = arith.constant 2 : i32
    %mul3A_2 = arith.muli %arg1, %mul3A_1 : i32
    %add3A = arith.addi %mul3A_2, %arg0 : i32
    %mul3A_3 = arith.constant 10112 : i32
    %mul3A_4 = arith.muli %add3A, %mul3A_3 : i32
    "tpu.region"() ({
      %run_scoped3A = tpu.sem_alloc : memref<!tpu.dma_semaphore, #tpu.memory_space<semaphore_mem>>
      %dma_start3A_61 = arith.constant 0 : i32
      %dma_start3A_62 = tpu.memref_slice %arg13[%mul3A_0, %dma_start3A_61] : memref<10112x128xf32, #tpu.memory_space<vmem_shared>> -> memref<632x128xf32, #tpu.memory_space<vmem_shared>>
      %dma_start3A_63 = arith.constant 0 : i32
      %dma_start3A_64 = arith.constant 0 : i32
      %dma_start3A_65 = tpu.memref_slice %arg3[%arg0, %dma_start3A_63, %dma_start3A_64] : memref<2x10112x128xf32, #tpu.memory_space<hbm>> -> memref<1x10112x128xf32, #tpu.memory_space<hbm>>
      %dma_start3A_66 = tpu.memref_squeeze %dma_start3A_65 : memref<1x10112x128xf32, #tpu.memory_space<hbm>> -> memref<10112x128xf32, #tpu.memory_space<hbm>>
      %dma_start3A_67 = arith.constant 0 : i32
      %dma_start3A_68 = tpu.memref_slice %dma_start3A_66[%mul3A_0, %dma_start3A_67] : memref<10112x128xf32, #tpu.memory_space<hbm>> -> memref<632x128xf32, #tpu.memory_space<hbm>>
      tpu.enqueue_dma source(%dma_start3A_68 : memref<632x128xf32, #tpu.memory_space<hbm>>) target(%dma_start3A_62 : memref<632x128xf32, #tpu.memory_space<vmem_shared>>) target_semaphore(%run_scoped3A : memref<!tpu.dma_semaphore, #tpu.memory_space<semaphore_mem>>)
      %dma_wait3A_69 = arith.constant 0 : i32
      %dma_wait3A_70 = tpu.memref_slice %arg13[%mul3A_0, %dma_wait3A_69] : memref<10112x128xf32, #tpu.memory_space<vmem_shared>> -> memref<632x128xf32, #tpu.memory_space<vmem_shared>>
      %dma_wait3A_71 = arith.constant 0 : i32
      %dma_wait3A_72 = arith.constant 0 : i32
      %dma_wait3A_73 = tpu.memref_slice %arg3[%arg0, %dma_wait3A_71, %dma_wait3A_72] : memref<2x10112x128xf32, #tpu.memory_space<hbm>> -> memref<1x10112x128xf32, #tpu.memory_space<hbm>>
      %dma_wait3A_74 = tpu.memref_squeeze %dma_wait3A_73 : memref<1x10112x128xf32, #tpu.memory_space<hbm>> -> memref<10112x128xf32, #tpu.memory_space<hbm>>
      %dma_wait3A_75 = arith.constant 0 : i32
      %dma_wait3A_76 = tpu.memref_slice %dma_wait3A_74[%mul3A_0, %dma_wait3A_75] : memref<10112x128xf32, #tpu.memory_space<hbm>> -> memref<632x128xf32, #tpu.memory_space<hbm>>
      tpu.wait_dma2 semaphore(%run_scoped3A : memref<!tpu.dma_semaphore, #tpu.memory_space<semaphore_mem>>) src(%dma_wait3A_76 : memref<632x128xf32, #tpu.memory_space<hbm>>) dst(%dma_wait3A_70 : memref<632x128xf32, #tpu.memory_space<vmem_shared>>)
      tpu.yield
    }) : () -> ()
    %barrier3A = arith.constant 0 : index
    tpu.barrier barrier_id(%barrier3A)
    "tpu.region"() ({
      %run_scoped3A = tpu.sem_alloc : memref<!tpu.dma_semaphore, #tpu.memory_space<semaphore_mem>>
      %dma_start3A_61 = tpu.memref_slice %arg4[%mul3A_4] : memref<323584xi32, #tpu.memory_space<hbm>> -> memref<128xi32, #tpu.memory_space<hbm>>
      %dma_start3A_62 = tpu.memref_slice %arg4[%mul3A_4] : memref<323584xi32, #tpu.memory_space<hbm>> -> memref<128xi32, #tpu.memory_space<hbm>>
      tpu.enqueue_dma source(%dma_start3A_62 : memref<128xi32, #tpu.memory_space<hbm>>) target(%arg7 : memref<128xi32, #tpu.memory_space<vmem>>) target_semaphore(%run_scoped3A : memref<!tpu.dma_semaphore, #tpu.memory_space<semaphore_mem>>)
      %dma_wait3A_63 = tpu.memref_slice %arg4[%mul3A_4] : memref<323584xi32, #tpu.memory_space<hbm>> -> memref<128xi32, #tpu.memory_space<hbm>>
      %dma_wait3A_64 = tpu.memref_slice %arg4[%mul3A_4] : memref<323584xi32, #tpu.memory_space<hbm>> -> memref<128xi32, #tpu.memory_space<hbm>>
      tpu.wait_dma2 semaphore(%run_scoped3A : memref<!tpu.dma_semaphore, #tpu.memory_space<semaphore_mem>>) src(%dma_wait3A_64 : memref<128xi32, #tpu.memory_space<hbm>>) dst(%arg7 : memref<128xi32, #tpu.memory_space<vmem>>)
      tpu.yield
    }) : () -> ()
    %dma_start3A = arith.constant 0 : i32
    %dma_start3A_5 = arith.constant 0 : i32
    %dma_start3A_6 = tpu.memref_slice %arg2[%arg0, %dma_start3A, %dma_start3A_5] : memref<2x10112x128xf32, #tpu.memory_space<hbm>> -> memref<1x10112x128xf32, #tpu.memory_space<hbm>>
    %dma_start3A_7 = tpu.memref_squeeze %dma_start3A_6 : memref<1x10112x128xf32, #tpu.memory_space<hbm>> -> memref<10112x128xf32, #tpu.memory_space<hbm>>
    %dma_start3A_8 = arith.constant 0 : i32
    %dma_start3A_9 = arith.constant 0 : i32
    %dma_start3A_10 = tpu.memref_slice %dma_start3A_7[%dma_start3A_8, %dma_start3A_9] : memref<10112x128xf32, #tpu.memory_space<hbm>> -> memref<10112x128xf32, #tpu.memory_space<hbm>>
    tpu.enqueue_indirect_dma source(%dma_start3A_10 : memref<10112x128xf32, #tpu.memory_space<hbm>>) target(%arg11 : memref<128x128xf32, #tpu.memory_space<vmem>>) offsets(%arg7 : memref<128xi32, #tpu.memory_space<vmem>>) semaphore(%arg14 : memref<!tpu.dma_semaphore, #tpu.memory_space<semaphore_mem>>)
    %add3A_11 = arith.constant 128 : i32
    %add3A_12 = arith.addi %mul3A_4, %add3A_11 : i32
    "tpu.region"() ({
      %run_scoped3A = tpu.sem_alloc : memref<!tpu.dma_semaphore, #tpu.memory_space<semaphore_mem>>
      %dma_start3A_61 = tpu.memref_slice %arg4[%add3A_12] : memref<323584xi32, #tpu.memory_space<hbm>> -> memref<128xi32, #tpu.memory_space<hbm>>
      %dma_start3A_62 = tpu.memref_slice %arg4[%add3A_12] : memref<323584xi32, #tpu.memory_space<hbm>> -> memref<128xi32, #tpu.memory_space<hbm>>
      tpu.enqueue_dma source(%dma_start3A_62 : memref<128xi32, #tpu.memory_space<hbm>>) target(%arg8 : memref<128xi32, #tpu.memory_space<vmem>>) target_semaphore(%run_scoped3A : memref<!tpu.dma_semaphore, #tpu.memory_space<semaphore_mem>>)
      %dma_wait3A_63 = tpu.memref_slice %arg4[%add3A_12] : memref<323584xi32, #tpu.memory_space<hbm>> -> memref<128xi32, #tpu.memory_space<hbm>>
      %dma_wait3A_64 = tpu.memref_slice %arg4[%add3A_12] : memref<323584xi32, #tpu.memory_space<hbm>> -> memref<128xi32, #tpu.memory_space<hbm>>
      tpu.wait_dma2 semaphore(%run_scoped3A : memref<!tpu.dma_semaphore, #tpu.memory_space<semaphore_mem>>) src(%dma_wait3A_64 : memref<128xi32, #tpu.memory_space<hbm>>) dst(%arg8 : memref<128xi32, #tpu.memory_space<vmem>>)
      tpu.yield
    }) : () -> ()
    %dma_start3A_13 = arith.constant 0 : i32
    %dma_start3A_14 = arith.constant 0 : i32
    %dma_start3A_15 = tpu.memref_slice %arg2[%arg0, %dma_start3A_13, %dma_start3A_14] : memref<2x10112x128xf32, #tpu.memory_space<hbm>> -> memref<1x10112x128xf32, #tpu.memory_space<hbm>>
    %dma_start3A_16 = tpu.memref_squeeze %dma_start3A_15 : memref<1x10112x128xf32, #tpu.memory_space<hbm>> -> memref<10112x128xf32, #tpu.memory_space<hbm>>
    %dma_start3A_17 = arith.constant 0 : i32
    %dma_start3A_18 = arith.constant 0 : i32
    %dma_start3A_19 = tpu.memref_slice %dma_start3A_16[%dma_start3A_17, %dma_start3A_18] : memref<10112x128xf32, #tpu.memory_space<hbm>> -> memref<10112x128xf32, #tpu.memory_space<hbm>>
    tpu.enqueue_indirect_dma source(%dma_start3A_19 : memref<10112x128xf32, #tpu.memory_space<hbm>>) target(%arg12 : memref<128x128xf32, #tpu.memory_space<vmem>>) offsets(%arg8 : memref<128xi32, #tpu.memory_space<vmem>>) semaphore(%arg15 : memref<!tpu.dma_semaphore, #tpu.memory_space<semaphore_mem>>)
    %scan3A = arith.constant 0 : i32
    %scan3A_20 = arith.constant 0 : i32
    %scan3A_21 = arith.constant 38 : i32
    %scan3A_22 = arith.addi %scan3A_20, %scan3A_21 : i32
    %scan3A_23 = arith.constant 1 : i32
    scf.for %scan3A_61 = %scan3A_20 to %scan3A_22 step %scan3A_23  : i32 {
      %mul3A_62 = arith.constant 2 : i32
      %mul3A_63 = arith.muli %mul3A_62, %scan3A_61 : i32
      %dma_wait3A_64 = arith.constant 0 : i32
      %dma_wait3A_65 = arith.constant 0 : i32
      %dma_wait3A_66 = tpu.memref_slice %arg2[%arg0, %dma_wait3A_64, %dma_wait3A_65] : memref<2x10112x128xf32, #tpu.memory_space<hbm>> -> memref<1x10112x128xf32, #tpu.memory_space<hbm>>
      %dma_wait3A_67 = tpu.memref_squeeze %dma_wait3A_66 : memref<1x10112x128xf32, #tpu.memory_space<hbm>> -> memref<10112x128xf32, #tpu.memory_space<hbm>>
      %dma_wait3A_68 = arith.constant 0 : i32
      %dma_wait3A_69 = arith.constant 0 : i32
      %dma_wait3A_70 = tpu.memref_slice %dma_wait3A_67[%dma_wait3A_68, %dma_wait3A_69] : memref<10112x128xf32, #tpu.memory_space<hbm>> -> memref<10112x128xf32, #tpu.memory_space<hbm>>
      tpu.wait_indirect_dma semaphore(%arg14 : memref<!tpu.dma_semaphore, #tpu.memory_space<semaphore_mem>>) src(%dma_wait3A_70 : memref<10112x128xf32, #tpu.memory_space<hbm>>) dst(%arg11 : memref<128x128xf32, #tpu.memory_space<vmem>>)
      %mul3A_71 = arith.constant 128 : i32
      %mul3A_72 = arith.muli %mul3A_63, %mul3A_71 : i32
      %add3A_73 = arith.addi %mul3A_4, %mul3A_72 : i32
      "tpu.region"() ({
        %run_scoped3A = tpu.sem_alloc : memref<!tpu.dma_semaphore, #tpu.memory_space<semaphore_mem>>
        %dma_start3A_110 = tpu.memref_slice %arg5[%add3A_73] : memref<323584xi32, #tpu.memory_space<hbm>> -> memref<128xi32, #tpu.memory_space<hbm>>
        %dma_start3A_111 = tpu.memref_slice %arg5[%add3A_73] : memref<323584xi32, #tpu.memory_space<hbm>> -> memref<128xi32, #tpu.memory_space<hbm>>
        tpu.enqueue_dma source(%dma_start3A_111 : memref<128xi32, #tpu.memory_space<hbm>>) target(%arg9 : memref<128xi32, #tpu.memory_space<vmem>>) target_semaphore(%run_scoped3A : memref<!tpu.dma_semaphore, #tpu.memory_space<semaphore_mem>>)
        %dma_wait3A_112 = tpu.memref_slice %arg5[%add3A_73] : memref<323584xi32, #tpu.memory_space<hbm>> -> memref<128xi32, #tpu.memory_space<hbm>>
        %dma_wait3A_113 = tpu.memref_slice %arg5[%add3A_73] : memref<323584xi32, #tpu.memory_space<hbm>> -> memref<128xi32, #tpu.memory_space<hbm>>
        tpu.wait_dma2 semaphore(%run_scoped3A : memref<!tpu.dma_semaphore, #tpu.memory_space<semaphore_mem>>) src(%dma_wait3A_113 : memref<128xi32, #tpu.memory_space<hbm>>) dst(%arg9 : memref<128xi32, #tpu.memory_space<vmem>>)
        tpu.yield
      }) : () -> ()
      "tpu.region"() ({
        %run_scoped3A = tpu.sem_alloc : memref<!tpu.dma_semaphore, #tpu.memory_space<semaphore_mem>>
        %dma_start3A_110 = arith.constant 0 : i32
        %dma_start3A_111 = arith.constant 0 : i32
        %dma_start3A_112 = tpu.memref_slice %arg13[%dma_start3A_110, %dma_start3A_111] : memref<10112x128xf32, #tpu.memory_space<vmem_shared>> -> memref<10112x128xf32, #tpu.memory_space<vmem_shared>>
        tpu.enqueue_indirect_dma source(%arg11 : memref<128x128xf32, #tpu.memory_space<vmem>>) target(%dma_start3A_112 : memref<10112x128xf32, #tpu.memory_space<vmem_shared>>) offsets(%arg9 : memref<128xi32, #tpu.memory_space<vmem>>) semaphore(%run_scoped3A : memref<!tpu.dma_semaphore, #tpu.memory_space<semaphore_mem>>) {add = true}
        %dma_wait3A_113 = arith.constant 0 : i32
        %dma_wait3A_114 = arith.constant 0 : i32
        %dma_wait3A_115 = tpu.memref_slice %arg13[%dma_wait3A_113, %dma_wait3A_114] : memref<10112x128xf32, #tpu.memory_space<vmem_shared>> -> memref<10112x128xf32, #tpu.memory_space<vmem_shared>>
        tpu.wait_indirect_dma semaphore(%run_scoped3A : memref<!tpu.dma_semaphore, #tpu.memory_space<semaphore_mem>>) src(%arg11 : memref<128x128xf32, #tpu.memory_space<vmem>>) dst(%dma_wait3A_115 : memref<10112x128xf32, #tpu.memory_space<vmem_shared>>)
        tpu.yield
      }) : () -> ()
      %add3A_74 = arith.constant 2 : i32
      %add3A_75 = arith.addi %mul3A_63, %add3A_74 : i32
      %mul3A_76 = arith.constant 128 : i32
      %mul3A_77 = arith.muli %add3A_75, %mul3A_76 : i32
      %add3A_78 = arith.addi %mul3A_4, %mul3A_77 : i32
      "tpu.region"() ({
        %run_scoped3A = tpu.sem_alloc : memref<!tpu.dma_semaphore, #tpu.memory_space<semaphore_mem>>
        %dma_start3A_110 = tpu.memref_slice %arg4[%add3A_78] : memref<323584xi32, #tpu.memory_space<hbm>> -> memref<128xi32, #tpu.memory_space<hbm>>
        %dma_start3A_111 = tpu.memref_slice %arg4[%add3A_78] : memref<323584xi32, #tpu.memory_space<hbm>> -> memref<128xi32, #tpu.memory_space<hbm>>
        tpu.enqueue_dma source(%dma_start3A_111 : memref<128xi32, #tpu.memory_space<hbm>>) target(%arg7 : memref<128xi32, #tpu.memory_space<vmem>>) target_semaphore(%run_scoped3A : memref<!tpu.dma_semaphore, #tpu.memory_space<semaphore_mem>>)
        %dma_wait3A_112 = tpu.memref_slice %arg4[%add3A_78] : memref<323584xi32, #tpu.memory_space<hbm>> -> memref<128xi32, #tpu.memory_space<hbm>>
        %dma_wait3A_113 = tpu.memref_slice %arg4[%add3A_78] : memref<323584xi32, #tpu.memory_space<hbm>> -> memref<128xi32, #tpu.memory_space<hbm>>
        tpu.wait_dma2 semaphore(%run_scoped3A : memref<!tpu.dma_semaphore, #tpu.memory_space<semaphore_mem>>) src(%dma_wait3A_113 : memref<128xi32, #tpu.memory_space<hbm>>) dst(%arg7 : memref<128xi32, #tpu.memory_space<vmem>>)
        tpu.yield
      }) : () -> ()
      %dma_start3A_79 = arith.constant 0 : i32
      %dma_start3A_80 = arith.constant 0 : i32
      %dma_start3A_81 = tpu.memref_slice %arg2[%arg0, %dma_start3A_79, %dma_start3A_80] : memref<2x10112x128xf32, #tpu.memory_space<hbm>> -> memref<1x10112x128xf32, #tpu.memory_space<hbm>>
      %dma_start3A_82 = tpu.memref_squeeze %dma_start3A_81 : memref<1x10112x128xf32, #tpu.memory_space<hbm>> -> memref<10112x128xf32, #tpu.memory_space<hbm>>
      %dma_start3A_83 = arith.constant 0 : i32
      %dma_start3A_84 = arith.constant 0 : i32
      %dma_start3A_85 = tpu.memref_slice %dma_start3A_82[%dma_start3A_83, %dma_start3A_84] : memref<10112x128xf32, #tpu.memory_space<hbm>> -> memref<10112x128xf32, #tpu.memory_space<hbm>>
      tpu.enqueue_indirect_dma source(%dma_start3A_85 : memref<10112x128xf32, #tpu.memory_space<hbm>>) target(%arg11 : memref<128x128xf32, #tpu.memory_space<vmem>>) offsets(%arg7 : memref<128xi32, #tpu.memory_space<vmem>>) semaphore(%arg14 : memref<!tpu.dma_semaphore, #tpu.memory_space<semaphore_mem>>)
      %dma_wait3A_86 = arith.constant 0 : i32
      %dma_wait3A_87 = arith.constant 0 : i32
      %dma_wait3A_88 = tpu.memref_slice %arg2[%arg0, %dma_wait3A_86, %dma_wait3A_87] : memref<2x10112x128xf32, #tpu.memory_space<hbm>> -> memref<1x10112x128xf32, #tpu.memory_space<hbm>>
      %dma_wait3A_89 = tpu.memref_squeeze %dma_wait3A_88 : memref<1x10112x128xf32, #tpu.memory_space<hbm>> -> memref<10112x128xf32, #tpu.memory_space<hbm>>
      %dma_wait3A_90 = arith.constant 0 : i32
      %dma_wait3A_91 = arith.constant 0 : i32
      %dma_wait3A_92 = tpu.memref_slice %dma_wait3A_89[%dma_wait3A_90, %dma_wait3A_91] : memref<10112x128xf32, #tpu.memory_space<hbm>> -> memref<10112x128xf32, #tpu.memory_space<hbm>>
      tpu.wait_indirect_dma semaphore(%arg15 : memref<!tpu.dma_semaphore, #tpu.memory_space<semaphore_mem>>) src(%dma_wait3A_92 : memref<10112x128xf32, #tpu.memory_space<hbm>>) dst(%arg12 : memref<128x128xf32, #tpu.memory_space<vmem>>)
      %add3A_93 = arith.constant 1 : i32
      %add3A_94 = arith.addi %mul3A_63, %add3A_93 : i32
      %mul3A_95 = arith.constant 128 : i32
      %mul3A_96 = arith.muli %add3A_94, %mul3A_95 : i32
      %add3A_97 = arith.addi %mul3A_4, %mul3A_96 : i32
      "tpu.region"() ({
        %run_scoped3A = tpu.sem_alloc : memref<!tpu.dma_semaphore, #tpu.memory_space<semaphore_mem>>
        %dma_start3A_110 = tpu.memref_slice %arg5[%add3A_97] : memref<323584xi32, #tpu.memory_space<hbm>> -> memref<128xi32, #tpu.memory_space<hbm>>
        %dma_start3A_111 = tpu.memref_slice %arg5[%add3A_97] : memref<323584xi32, #tpu.memory_space<hbm>> -> memref<128xi32, #tpu.memory_space<hbm>>
        tpu.enqueue_dma source(%dma_start3A_111 : memref<128xi32, #tpu.memory_space<hbm>>) target(%arg10 : memref<128xi32, #tpu.memory_space<vmem>>) target_semaphore(%run_scoped3A : memref<!tpu.dma_semaphore, #tpu.memory_space<semaphore_mem>>)
        %dma_wait3A_112 = tpu.memref_slice %arg5[%add3A_97] : memref<323584xi32, #tpu.memory_space<hbm>> -> memref<128xi32, #tpu.memory_space<hbm>>
        %dma_wait3A_113 = tpu.memref_slice %arg5[%add3A_97] : memref<323584xi32, #tpu.memory_space<hbm>> -> memref<128xi32, #tpu.memory_space<hbm>>
        tpu.wait_dma2 semaphore(%run_scoped3A : memref<!tpu.dma_semaphore, #tpu.memory_space<semaphore_mem>>) src(%dma_wait3A_113 : memref<128xi32, #tpu.memory_space<hbm>>) dst(%arg10 : memref<128xi32, #tpu.memory_space<vmem>>)
        tpu.yield
      }) : () -> ()
      "tpu.region"() ({
        %run_scoped3A = tpu.sem_alloc : memref<!tpu.dma_semaphore, #tpu.memory_space<semaphore_mem>>
        %dma_start3A_110 = arith.constant 0 : i32
        %dma_start3A_111 = arith.constant 0 : i32
        %dma_start3A_112 = tpu.memref_slice %arg13[%dma_start3A_110, %dma_start3A_111] : memref<10112x128xf32, #tpu.memory_space<vmem_shared>> -> memref<10112x128xf32, #tpu.memory_space<vmem_shared>>
        tpu.enqueue_indirect_dma source(%arg12 : memref<128x128xf32, #tpu.memory_space<vmem>>) target(%dma_start3A_112 : memref<10112x128xf32, #tpu.memory_space<vmem_shared>>) offsets(%arg10 : memref<128xi32, #tpu.memory_space<vmem>>) semaphore(%run_scoped3A : memref<!tpu.dma_semaphore, #tpu.memory_space<semaphore_mem>>) {add = true}
        %dma_wait3A_113 = arith.constant 0 : i32
        %dma_wait3A_114 = arith.constant 0 : i32
        %dma_wait3A_115 = tpu.memref_slice %arg13[%dma_wait3A_113, %dma_wait3A_114] : memref<10112x128xf32, #tpu.memory_space<vmem_shared>> -> memref<10112x128xf32, #tpu.memory_space<vmem_shared>>
        tpu.wait_indirect_dma semaphore(%run_scoped3A : memref<!tpu.dma_semaphore, #tpu.memory_space<semaphore_mem>>) src(%arg12 : memref<128x128xf32, #tpu.memory_space<vmem>>) dst(%dma_wait3A_115 : memref<10112x128xf32, #tpu.memory_space<vmem_shared>>)
        tpu.yield
      }) : () -> ()
      %add3A_98 = arith.constant 3 : i32
      %add3A_99 = arith.addi %mul3A_63, %add3A_98 : i32
      %mul3A_100 = arith.constant 128 : i32
      %mul3A_101 = arith.muli %add3A_99, %mul3A_100 : i32
      %add3A_102 = arith.addi %mul3A_4, %mul3A_101 : i32
      "tpu.region"() ({
        %run_scoped3A = tpu.sem_alloc : memref<!tpu.dma_semaphore, #tpu.memory_space<semaphore_mem>>
        %dma_start3A_110 = tpu.memref_slice %arg4[%add3A_102] : memref<323584xi32, #tpu.memory_space<hbm>> -> memref<128xi32, #tpu.memory_space<hbm>>
        %dma_start3A_111 = tpu.memref_slice %arg4[%add3A_102] : memref<323584xi32, #tpu.memory_space<hbm>> -> memref<128xi32, #tpu.memory_space<hbm>>
        tpu.enqueue_dma source(%dma_start3A_111 : memref<128xi32, #tpu.memory_space<hbm>>) target(%arg8 : memref<128xi32, #tpu.memory_space<vmem>>) target_semaphore(%run_scoped3A : memref<!tpu.dma_semaphore, #tpu.memory_space<semaphore_mem>>)
        %dma_wait3A_112 = tpu.memref_slice %arg4[%add3A_102] : memref<323584xi32, #tpu.memory_space<hbm>> -> memref<128xi32, #tpu.memory_space<hbm>>
        %dma_wait3A_113 = tpu.memref_slice %arg4[%add3A_102] : memref<323584xi32, #tpu.memory_space<hbm>> -> memref<128xi32, #tpu.memory_space<hbm>>
        tpu.wait_dma2 semaphore(%run_scoped3A : memref<!tpu.dma_semaphore, #tpu.memory_space<semaphore_mem>>) src(%dma_wait3A_113 : memref<128xi32, #tpu.memory_space<hbm>>) dst(%arg8 : memref<128xi32, #tpu.memory_space<vmem>>)
        tpu.yield
      }) : () -> ()
      %dma_start3A_103 = arith.constant 0 : i32
      %dma_start3A_104 = arith.constant 0 : i32
      %dma_start3A_105 = tpu.memref_slice %arg2[%arg0, %dma_start3A_103, %dma_start3A_104] : memref<2x10112x128xf32, #tpu.memory_space<hbm>> -> memref<1x10112x128xf32, #tpu.memory_space<hbm>>
      %dma_start3A_106 = tpu.memref_squeeze %dma_start3A_105 : memref<1x10112x128xf32, #tpu.memory_space<hbm>> -> memref<10112x128xf32, #tpu.memory_space<hbm>>
      %dma_start3A_107 = arith.constant 0 : i32
      %dma_start3A_108 = arith.constant 0 : i32
      %dma_start3A_109 = tpu.memref_slice %dma_start3A_106[%dma_start3A_107, %dma_start3A_108] : memref<10112x128xf32, #tpu.memory_space<hbm>> -> memref<10112x128xf32, #tpu.memory_space<hbm>>
      tpu.enqueue_indirect_dma source(%dma_start3A_109 : memref<10112x128xf32, #tpu.memory_space<hbm>>) target(%arg12 : memref<128x128xf32, #tpu.memory_space<vmem>>) offsets(%arg8 : memref<128xi32, #tpu.memory_space<vmem>>) semaphore(%arg15 : memref<!tpu.dma_semaphore, #tpu.memory_space<semaphore_mem>>)
    }
    %scan3A_24 = arith.constant 38 : i32
    %dma_wait3A = arith.constant 0 : i32
    %dma_wait3A_25 = arith.constant 0 : i32
    %dma_wait3A_26 = tpu.memref_slice %arg2[%arg0, %dma_wait3A, %dma_wait3A_25] : memref<2x10112x128xf32, #tpu.memory_space<hbm>> -> memref<1x10112x128xf32, #tpu.memory_space<hbm>>
    %dma_wait3A_27 = tpu.memref_squeeze %dma_wait3A_26 : memref<1x10112x128xf32, #tpu.memory_space<hbm>> -> memref<10112x128xf32, #tpu.memory_space<hbm>>
    %dma_wait3A_28 = arith.constant 0 : i32
    %dma_wait3A_29 = arith.constant 0 : i32
    %dma_wait3A_30 = tpu.memref_slice %dma_wait3A_27[%dma_wait3A_28, %dma_wait3A_29] : memref<10112x128xf32, #tpu.memory_space<hbm>> -> memref<10112x128xf32, #tpu.memory_space<hbm>>
    tpu.wait_indirect_dma semaphore(%arg14 : memref<!tpu.dma_semaphore, #tpu.memory_space<semaphore_mem>>) src(%dma_wait3A_30 : memref<10112x128xf32, #tpu.memory_space<hbm>>) dst(%arg11 : memref<128x128xf32, #tpu.memory_space<vmem>>)
    %add3A_31 = arith.constant 9728 : i32
    %add3A_32 = arith.addi %mul3A_4, %add3A_31 : i32
    "tpu.region"() ({
      %run_scoped3A = tpu.sem_alloc : memref<!tpu.dma_semaphore, #tpu.memory_space<semaphore_mem>>
      %dma_start3A_61 = tpu.memref_slice %arg5[%add3A_32] : memref<323584xi32, #tpu.memory_space<hbm>> -> memref<128xi32, #tpu.memory_space<hbm>>
      %dma_start3A_62 = tpu.memref_slice %arg5[%add3A_32] : memref<323584xi32, #tpu.memory_space<hbm>> -> memref<128xi32, #tpu.memory_space<hbm>>
      tpu.enqueue_dma source(%dma_start3A_62 : memref<128xi32, #tpu.memory_space<hbm>>) target(%arg9 : memref<128xi32, #tpu.memory_space<vmem>>) target_semaphore(%run_scoped3A : memref<!tpu.dma_semaphore, #tpu.memory_space<semaphore_mem>>)
      %dma_wait3A_63 = tpu.memref_slice %arg5[%add3A_32] : memref<323584xi32, #tpu.memory_space<hbm>> -> memref<128xi32, #tpu.memory_space<hbm>>
      %dma_wait3A_64 = tpu.memref_slice %arg5[%add3A_32] : memref<323584xi32, #tpu.memory_space<hbm>> -> memref<128xi32, #tpu.memory_space<hbm>>
      tpu.wait_dma2 semaphore(%run_scoped3A : memref<!tpu.dma_semaphore, #tpu.memory_space<semaphore_mem>>) src(%dma_wait3A_64 : memref<128xi32, #tpu.memory_space<hbm>>) dst(%arg9 : memref<128xi32, #tpu.memory_space<vmem>>)
      tpu.yield
    }) : () -> ()
    "tpu.region"() ({
      %run_scoped3A = tpu.sem_alloc : memref<!tpu.dma_semaphore, #tpu.memory_space<semaphore_mem>>
      %dma_start3A_61 = arith.constant 0 : i32
      %dma_start3A_62 = arith.constant 0 : i32
      %dma_start3A_63 = tpu.memref_slice %arg13[%dma_start3A_61, %dma_start3A_62] : memref<10112x128xf32, #tpu.memory_space<vmem_shared>> -> memref<10112x128xf32, #tpu.memory_space<vmem_shared>>
      tpu.enqueue_indirect_dma source(%arg11 : memref<128x128xf32, #tpu.memory_space<vmem>>) target(%dma_start3A_63 : memref<10112x128xf32, #tpu.memory_space<vmem_shared>>) offsets(%arg9 : memref<128xi32, #tpu.memory_space<vmem>>) semaphore(%run_scoped3A : memref<!tpu.dma_semaphore, #tpu.memory_space<semaphore_mem>>) {add = true}
      %dma_wait3A_64 = arith.constant 0 : i32
      %dma_wait3A_65 = arith.constant 0 : i32
      %dma_wait3A_66 = tpu.memref_slice %arg13[%dma_wait3A_64, %dma_wait3A_65] : memref<10112x128xf32, #tpu.memory_space<vmem_shared>> -> memref<10112x128xf32, #tpu.memory_space<vmem_shared>>
      tpu.wait_indirect_dma semaphore(%run_scoped3A : memref<!tpu.dma_semaphore, #tpu.memory_space<semaphore_mem>>) src(%arg11 : memref<128x128xf32, #tpu.memory_space<vmem>>) dst(%dma_wait3A_66 : memref<10112x128xf32, #tpu.memory_space<vmem_shared>>)
      tpu.yield
    }) : () -> ()
    %add3A_33 = arith.constant 9984 : i32
    %add3A_34 = arith.addi %mul3A_4, %add3A_33 : i32
    "tpu.region"() ({
      %run_scoped3A = tpu.sem_alloc : memref<!tpu.dma_semaphore, #tpu.memory_space<semaphore_mem>>
      %dma_start3A_61 = tpu.memref_slice %arg4[%add3A_34] : memref<323584xi32, #tpu.memory_space<hbm>> -> memref<128xi32, #tpu.memory_space<hbm>>
      %dma_start3A_62 = tpu.memref_slice %arg4[%add3A_34] : memref<323584xi32, #tpu.memory_space<hbm>> -> memref<128xi32, #tpu.memory_space<hbm>>
      tpu.enqueue_dma source(%dma_start3A_62 : memref<128xi32, #tpu.memory_space<hbm>>) target(%arg7 : memref<128xi32, #tpu.memory_space<vmem>>) target_semaphore(%run_scoped3A : memref<!tpu.dma_semaphore, #tpu.memory_space<semaphore_mem>>)
      %dma_wait3A_63 = tpu.memref_slice %arg4[%add3A_34] : memref<323584xi32, #tpu.memory_space<hbm>> -> memref<128xi32, #tpu.memory_space<hbm>>
      %dma_wait3A_64 = tpu.memref_slice %arg4[%add3A_34] : memref<323584xi32, #tpu.memory_space<hbm>> -> memref<128xi32, #tpu.memory_space<hbm>>
      tpu.wait_dma2 semaphore(%run_scoped3A : memref<!tpu.dma_semaphore, #tpu.memory_space<semaphore_mem>>) src(%dma_wait3A_64 : memref<128xi32, #tpu.memory_space<hbm>>) dst(%arg7 : memref<128xi32, #tpu.memory_space<vmem>>)
      tpu.yield
    }) : () -> ()
    %dma_start3A_35 = arith.constant 0 : i32
    %dma_start3A_36 = arith.constant 0 : i32
    %dma_start3A_37 = tpu.memref_slice %arg2[%arg0, %dma_start3A_35, %dma_start3A_36] : memref<2x10112x128xf32, #tpu.memory_space<hbm>> -> memref<1x10112x128xf32, #tpu.memory_space<hbm>>
    %dma_start3A_38 = tpu.memref_squeeze %dma_start3A_37 : memref<1x10112x128xf32, #tpu.memory_space<hbm>> -> memref<10112x128xf32, #tpu.memory_space<hbm>>
    %dma_start3A_39 = arith.constant 0 : i32
    %dma_start3A_40 = arith.constant 0 : i32
    %dma_start3A_41 = tpu.memref_slice %dma_start3A_38[%dma_start3A_39, %dma_start3A_40] : memref<10112x128xf32, #tpu.memory_space<hbm>> -> memref<10112x128xf32, #tpu.memory_space<hbm>>
    tpu.enqueue_indirect_dma source(%dma_start3A_41 : memref<10112x128xf32, #tpu.memory_space<hbm>>) target(%arg11 : memref<128x128xf32, #tpu.memory_space<vmem>>) offsets(%arg7 : memref<128xi32, #tpu.memory_space<vmem>>) semaphore(%arg14 : memref<!tpu.dma_semaphore, #tpu.memory_space<semaphore_mem>>)
    %dma_wait3A_42 = arith.constant 0 : i32
    %dma_wait3A_43 = arith.constant 0 : i32
    %dma_wait3A_44 = tpu.memref_slice %arg2[%arg0, %dma_wait3A_42, %dma_wait3A_43] : memref<2x10112x128xf32, #tpu.memory_space<hbm>> -> memref<1x10112x128xf32, #tpu.memory_space<hbm>>
    %dma_wait3A_45 = tpu.memref_squeeze %dma_wait3A_44 : memref<1x10112x128xf32, #tpu.memory_space<hbm>> -> memref<10112x128xf32, #tpu.memory_space<hbm>>
    %dma_wait3A_46 = arith.constant 0 : i32
    %dma_wait3A_47 = arith.constant 0 : i32
    %dma_wait3A_48 = tpu.memref_slice %dma_wait3A_45[%dma_wait3A_46, %dma_wait3A_47] : memref<10112x128xf32, #tpu.memory_space<hbm>> -> memref<10112x128xf32, #tpu.memory_space<hbm>>
    tpu.wait_indirect_dma semaphore(%arg15 : memref<!tpu.dma_semaphore, #tpu.memory_space<semaphore_mem>>) src(%dma_wait3A_48 : memref<10112x128xf32, #tpu.memory_space<hbm>>) dst(%arg12 : memref<128x128xf32, #tpu.memory_space<vmem>>)
    %add3A_49 = arith.constant 9856 : i32
    %add3A_50 = arith.addi %mul3A_4, %add3A_49 : i32
    "tpu.region"() ({
      %run_scoped3A = tpu.sem_alloc : memref<!tpu.dma_semaphore, #tpu.memory_space<semaphore_mem>>
      %dma_start3A_61 = tpu.memref_slice %arg5[%add3A_50] : memref<323584xi32, #tpu.memory_space<hbm>> -> memref<128xi32, #tpu.memory_space<hbm>>
      %dma_start3A_62 = tpu.memref_slice %arg5[%add3A_50] : memref<323584xi32, #tpu.memory_space<hbm>> -> memref<128xi32, #tpu.memory_space<hbm>>
      tpu.enqueue_dma source(%dma_start3A_62 : memref<128xi32, #tpu.memory_space<hbm>>) target(%arg10 : memref<128xi32, #tpu.memory_space<vmem>>) target_semaphore(%run_scoped3A : memref<!tpu.dma_semaphore, #tpu.memory_space<semaphore_mem>>)
      %dma_wait3A_63 = tpu.memref_slice %arg5[%add3A_50] : memref<323584xi32, #tpu.memory_space<hbm>> -> memref<128xi32, #tpu.memory_space<hbm>>
      %dma_wait3A_64 = tpu.memref_slice %arg5[%add3A_50] : memref<323584xi32, #tpu.memory_space<hbm>> -> memref<128xi32, #tpu.memory_space<hbm>>
      tpu.wait_dma2 semaphore(%run_scoped3A : memref<!tpu.dma_semaphore, #tpu.memory_space<semaphore_mem>>) src(%dma_wait3A_64 : memref<128xi32, #tpu.memory_space<hbm>>) dst(%arg10 : memref<128xi32, #tpu.memory_space<vmem>>)
      tpu.yield
    }) : () -> ()
    "tpu.region"() ({
      %run_scoped3A = tpu.sem_alloc : memref<!tpu.dma_semaphore, #tpu.memory_space<semaphore_mem>>
      %dma_start3A_61 = arith.constant 0 : i32
      %dma_start3A_62 = arith.constant 0 : i32
      %dma_start3A_63 = tpu.memref_slice %arg13[%dma_start3A_61, %dma_start3A_62] : memref<10112x128xf32, #tpu.memory_space<vmem_shared>> -> memref<10112x128xf32, #tpu.memory_space<vmem_shared>>
      tpu.enqueue_indirect_dma source(%arg12 : memref<128x128xf32, #tpu.memory_space<vmem>>) target(%dma_start3A_63 : memref<10112x128xf32, #tpu.memory_space<vmem_shared>>) offsets(%arg10 : memref<128xi32, #tpu.memory_space<vmem>>) semaphore(%run_scoped3A : memref<!tpu.dma_semaphore, #tpu.memory_space<semaphore_mem>>) {add = true}
      %dma_wait3A_64 = arith.constant 0 : i32
      %dma_wait3A_65 = arith.constant 0 : i32
      %dma_wait3A_66 = tpu.memref_slice %arg13[%dma_wait3A_64, %dma_wait3A_65] : memref<10112x128xf32, #tpu.memory_space<vmem_shared>> -> memref<10112x128xf32, #tpu.memory_space<vmem_shared>>
      tpu.wait_indirect_dma semaphore(%run_scoped3A : memref<!tpu.dma_semaphore, #tpu.memory_space<semaphore_mem>>) src(%arg12 : memref<128x128xf32, #tpu.memory_space<vmem>>) dst(%dma_wait3A_66 : memref<10112x128xf32, #tpu.memory_space<vmem_shared>>)
      tpu.yield
    }) : () -> ()
    %dma_wait3A_51 = arith.constant 0 : i32
    %dma_wait3A_52 = arith.constant 0 : i32
    %dma_wait3A_53 = tpu.memref_slice %arg2[%arg0, %dma_wait3A_51, %dma_wait3A_52] : memref<2x10112x128xf32, #tpu.memory_space<hbm>> -> memref<1x10112x128xf32, #tpu.memory_space<hbm>>
    %dma_wait3A_54 = tpu.memref_squeeze %dma_wait3A_53 : memref<1x10112x128xf32, #tpu.memory_space<hbm>> -> memref<10112x128xf32, #tpu.memory_space<hbm>>
    %dma_wait3A_55 = arith.constant 0 : i32
    %dma_wait3A_56 = arith.constant 0 : i32
    %dma_wait3A_57 = tpu.memref_slice %dma_wait3A_54[%dma_wait3A_55, %dma_wait3A_56] : memref<10112x128xf32, #tpu.memory_space<hbm>> -> memref<10112x128xf32, #tpu.memory_space<hbm>>
    tpu.wait_indirect_dma semaphore(%arg14 : memref<!tpu.dma_semaphore, #tpu.memory_space<semaphore_mem>>) src(%dma_wait3A_57 : memref<10112x128xf32, #tpu.memory_space<hbm>>) dst(%arg11 : memref<128x128xf32, #tpu.memory_space<vmem>>)
    %add3A_58 = arith.constant 9984 : i32
    %add3A_59 = arith.addi %mul3A_4, %add3A_58 : i32
    "tpu.region"() ({
      %run_scoped3A = tpu.sem_alloc : memref<!tpu.dma_semaphore, #tpu.memory_space<semaphore_mem>>
      %dma_start3A_61 = tpu.memref_slice %arg5[%add3A_59] : memref<323584xi32, #tpu.memory_space<hbm>> -> memref<128xi32, #tpu.memory_space<hbm>>
      %dma_start3A_62 = tpu.memref_slice %arg5[%add3A_59] : memref<323584xi32, #tpu.memory_space<hbm>> -> memref<128xi32, #tpu.memory_space<hbm>>
      tpu.enqueue_dma source(%dma_start3A_62 : memref<128xi32, #tpu.memory_space<hbm>>) target(%arg9 : memref<128xi32, #tpu.memory_space<vmem>>) target_semaphore(%run_scoped3A : memref<!tpu.dma_semaphore, #tpu.memory_space<semaphore_mem>>)
      %dma_wait3A_63 = tpu.memref_slice %arg5[%add3A_59] : memref<323584xi32, #tpu.memory_space<hbm>> -> memref<128xi32, #tpu.memory_space<hbm>>
      %dma_wait3A_64 = tpu.memref_slice %arg5[%add3A_59] : memref<323584xi32, #tpu.memory_space<hbm>> -> memref<128xi32, #tpu.memory_space<hbm>>
      tpu.wait_dma2 semaphore(%run_scoped3A : memref<!tpu.dma_semaphore, #tpu.memory_space<semaphore_mem>>) src(%dma_wait3A_64 : memref<128xi32, #tpu.memory_space<hbm>>) dst(%arg9 : memref<128xi32, #tpu.memory_space<vmem>>)
      tpu.yield
    }) : () -> ()
    "tpu.region"() ({
      %run_scoped3A = tpu.sem_alloc : memref<!tpu.dma_semaphore, #tpu.memory_space<semaphore_mem>>
      %dma_start3A_61 = arith.constant 0 : i32
      %dma_start3A_62 = arith.constant 0 : i32
      %dma_start3A_63 = tpu.memref_slice %arg13[%dma_start3A_61, %dma_start3A_62] : memref<10112x128xf32, #tpu.memory_space<vmem_shared>> -> memref<10112x128xf32, #tpu.memory_space<vmem_shared>>
      tpu.enqueue_indirect_dma source(%arg11 : memref<128x128xf32, #tpu.memory_space<vmem>>) target(%dma_start3A_63 : memref<10112x128xf32, #tpu.memory_space<vmem_shared>>) offsets(%arg9 : memref<128xi32, #tpu.memory_space<vmem>>) semaphore(%run_scoped3A : memref<!tpu.dma_semaphore, #tpu.memory_space<semaphore_mem>>) {add = true}
      %dma_wait3A_64 = arith.constant 0 : i32
      %dma_wait3A_65 = arith.constant 0 : i32
      %dma_wait3A_66 = tpu.memref_slice %arg13[%dma_wait3A_64, %dma_wait3A_65] : memref<10112x128xf32, #tpu.memory_space<vmem_shared>> -> memref<10112x128xf32, #tpu.memory_space<vmem_shared>>
      tpu.wait_indirect_dma semaphore(%run_scoped3A : memref<!tpu.dma_semaphore, #tpu.memory_space<semaphore_mem>>) src(%arg11 : memref<128x128xf32, #tpu.memory_space<vmem>>) dst(%dma_wait3A_66 : memref<10112x128xf32, #tpu.memory_space<vmem_shared>>)
      tpu.yield
    }) : () -> ()
    %barrier3A_60 = arith.constant 0 : index
    tpu.barrier barrier_id(%barrier3A_60)
    "tpu.region"() ({
      %run_scoped3A = tpu.sem_alloc : memref<!tpu.dma_semaphore, #tpu.memory_space<semaphore_mem>>
      %dma_start3A_61 = arith.constant 0 : i32
      %dma_start3A_62 = tpu.memref_slice %arg6[%arg0, %mul3A_0, %dma_start3A_61] : memref<2x10112x128xf32, #tpu.memory_space<hbm>> -> memref<1x632x128xf32, #tpu.memory_space<hbm>>
      %dma_start3A_63 = tpu.memref_squeeze %dma_start3A_62 : memref<1x632x128xf32, #tpu.memory_space<hbm>> -> memref<632x128xf32, #tpu.memory_space<hbm>>
      %dma_start3A_64 = arith.constant 0 : i32
      %dma_start3A_65 = tpu.memref_slice %arg13[%mul3A_0, %dma_start3A_64] : memref<10112x128xf32, #tpu.memory_space<vmem_shared>> -> memref<632x128xf32, #tpu.memory_space<vmem_shared>>
      tpu.enqueue_dma source(%dma_start3A_65 : memref<632x128xf32, #tpu.memory_space<vmem_shared>>) target(%dma_start3A_63 : memref<632x128xf32, #tpu.memory_space<hbm>>) target_semaphore(%run_scoped3A : memref<!tpu.dma_semaphore, #tpu.memory_space<semaphore_mem>>)
      %dma_wait3A_66 = arith.constant 0 : i32
      %dma_wait3A_67 = tpu.memref_slice %arg6[%arg0, %mul3A_0, %dma_wait3A_66] : memref<2x10112x128xf32, #tpu.memory_space<hbm>> -> memref<1x632x128xf32, #tpu.memory_space<hbm>>
      %dma_wait3A_68 = tpu.memref_squeeze %dma_wait3A_67 : memref<1x632x128xf32, #tpu.memory_space<hbm>> -> memref<632x128xf32, #tpu.memory_space<hbm>>
      %dma_wait3A_69 = arith.constant 0 : i32
      %dma_wait3A_70 = tpu.memref_slice %arg13[%mul3A_0, %dma_wait3A_69] : memref<10112x128xf32, #tpu.memory_space<vmem_shared>> -> memref<632x128xf32, #tpu.memory_space<vmem_shared>>
      tpu.wait_dma2 semaphore(%run_scoped3A : memref<!tpu.dma_semaphore, #tpu.memory_space<semaphore_mem>>) src(%dma_wait3A_70 : memref<632x128xf32, #tpu.memory_space<vmem_shared>>) dst(%dma_wait3A_68 : memref<632x128xf32, #tpu.memory_space<hbm>>)
      tpu.yield
    }) : () -> ()
    return
  }
}

#map = affine_map<(d0, d1) -> (0, 0)>
#map1 = affine_map<(d0, d1) -> (0, 0, 0)>
#map2 = affine_map<(d0, d1) -> (0)>
module attributes {stable_mosaic.version = 14 : i64} {
  func.func @_deg_kernel(%arg0: i32, %arg1: i32, %arg2: memref<128x128xf32, #tpu.memory_space<hbm>>, %arg3: memref<2x10112x128xf32, #tpu.memory_space<hbm>>, %arg4: memref<323584xi32, #tpu.memory_space<hbm>>, %arg5: memref<2x10112x128xf32, #tpu.memory_space<hbm>>, %arg6: memref<128xi32, #tpu.memory_space<vmem>>, %arg7: memref<128xi32, #tpu.memory_space<vmem>>, %arg8: memref<128x128xf32, #tpu.memory_space<vmem>>, %arg9: memref<10112x128xf32, #tpu.memory_space<vmem_shared>>, %arg10: memref<!tpu.dma_semaphore, #tpu.memory_space<semaphore_mem>>, %arg11: memref<!tpu.dma_semaphore, #tpu.memory_space<semaphore_mem>>) attributes {dimension_semantics = [#tpu.dimension_semantics<core_parallel>, #tpu.dimension_semantics<subcore_parallel>], iteration_bounds = array<i64: 2, 16>, scalar_prefetch = 0 : i64, scratch_operands = 6 : i64, tpu.core_type = #tpu.core_type<sc_vector_subcore>, window_params = [{transform_indices = #map}, {transform_indices = #map1}, {transform_indices = #map2}, {transform_indices = #map1}]} {
    %mul3A = arith.constant 632 : i32
    %mul3A_0 = arith.muli %arg1, %mul3A : i32
    "tpu.region"() ({
      %run_scoped3A = tpu.sem_alloc : memref<!tpu.dma_semaphore, #tpu.memory_space<semaphore_mem>>
      %dma_start3A_31 = arith.constant 0 : i32
      %dma_start3A_32 = tpu.memref_slice %arg9[%mul3A_0, %dma_start3A_31] : memref<10112x128xf32, #tpu.memory_space<vmem_shared>> -> memref<632x128xf32, #tpu.memory_space<vmem_shared>>
      %dma_start3A_33 = arith.constant 0 : i32
      %dma_start3A_34 = arith.constant 0 : i32
      %dma_start3A_35 = tpu.memref_slice %arg3[%arg0, %dma_start3A_33, %dma_start3A_34] : memref<2x10112x128xf32, #tpu.memory_space<hbm>> -> memref<1x10112x128xf32, #tpu.memory_space<hbm>>
      %dma_start3A_36 = tpu.memref_squeeze %dma_start3A_35 : memref<1x10112x128xf32, #tpu.memory_space<hbm>> -> memref<10112x128xf32, #tpu.memory_space<hbm>>
      %dma_start3A_37 = arith.constant 0 : i32
      %dma_start3A_38 = tpu.memref_slice %dma_start3A_36[%mul3A_0, %dma_start3A_37] : memref<10112x128xf32, #tpu.memory_space<hbm>> -> memref<632x128xf32, #tpu.memory_space<hbm>>
      tpu.enqueue_dma source(%dma_start3A_38 : memref<632x128xf32, #tpu.memory_space<hbm>>) target(%dma_start3A_32 : memref<632x128xf32, #tpu.memory_space<vmem_shared>>) target_semaphore(%run_scoped3A : memref<!tpu.dma_semaphore, #tpu.memory_space<semaphore_mem>>)
      %dma_wait3A_39 = arith.constant 0 : i32
      %dma_wait3A_40 = tpu.memref_slice %arg9[%mul3A_0, %dma_wait3A_39] : memref<10112x128xf32, #tpu.memory_space<vmem_shared>> -> memref<632x128xf32, #tpu.memory_space<vmem_shared>>
      %dma_wait3A_41 = arith.constant 0 : i32
      %dma_wait3A_42 = arith.constant 0 : i32
      %dma_wait3A_43 = tpu.memref_slice %arg3[%arg0, %dma_wait3A_41, %dma_wait3A_42] : memref<2x10112x128xf32, #tpu.memory_space<hbm>> -> memref<1x10112x128xf32, #tpu.memory_space<hbm>>
      %dma_wait3A_44 = tpu.memref_squeeze %dma_wait3A_43 : memref<1x10112x128xf32, #tpu.memory_space<hbm>> -> memref<10112x128xf32, #tpu.memory_space<hbm>>
      %dma_wait3A_45 = arith.constant 0 : i32
      %dma_wait3A_46 = tpu.memref_slice %dma_wait3A_44[%mul3A_0, %dma_wait3A_45] : memref<10112x128xf32, #tpu.memory_space<hbm>> -> memref<632x128xf32, #tpu.memory_space<hbm>>
      tpu.wait_dma2 semaphore(%run_scoped3A : memref<!tpu.dma_semaphore, #tpu.memory_space<semaphore_mem>>) src(%dma_wait3A_46 : memref<632x128xf32, #tpu.memory_space<hbm>>) dst(%dma_wait3A_40 : memref<632x128xf32, #tpu.memory_space<vmem_shared>>)
      tpu.yield
    }) : () -> ()
    "tpu.region"() ({
      %run_scoped3A = tpu.sem_alloc : memref<!tpu.dma_semaphore, #tpu.memory_space<semaphore_mem>>
      tpu.enqueue_dma source(%arg2 : memref<128x128xf32, #tpu.memory_space<hbm>>) target(%arg8 : memref<128x128xf32, #tpu.memory_space<vmem>>) target_semaphore(%run_scoped3A : memref<!tpu.dma_semaphore, #tpu.memory_space<semaphore_mem>>)
      tpu.wait_dma2 semaphore(%run_scoped3A : memref<!tpu.dma_semaphore, #tpu.memory_space<semaphore_mem>>) src(%arg2 : memref<128x128xf32, #tpu.memory_space<hbm>>) dst(%arg8 : memref<128x128xf32, #tpu.memory_space<vmem>>)
      tpu.yield
    }) : () -> ()
    %barrier3A = arith.constant 0 : index
    tpu.barrier barrier_id(%barrier3A)
    %mul3A_1 = arith.constant 2 : i32
    %mul3A_2 = arith.muli %arg1, %mul3A_1 : i32
    %add3A = arith.addi %mul3A_2, %arg0 : i32
    %mul3A_3 = arith.constant 10112 : i32
    %mul3A_4 = arith.muli %add3A, %mul3A_3 : i32
    %dma_start3A = tpu.memref_slice %arg4[%mul3A_4] : memref<323584xi32, #tpu.memory_space<hbm>> -> memref<128xi32, #tpu.memory_space<hbm>>
    %dma_start3A_5 = tpu.memref_slice %arg4[%mul3A_4] : memref<323584xi32, #tpu.memory_space<hbm>> -> memref<128xi32, #tpu.memory_space<hbm>>
    tpu.enqueue_dma source(%dma_start3A_5 : memref<128xi32, #tpu.memory_space<hbm>>) target(%arg6 : memref<128xi32, #tpu.memory_space<vmem>>) target_semaphore(%arg10 : memref<!tpu.dma_semaphore, #tpu.memory_space<semaphore_mem>>)
    %add3A_6 = arith.constant 128 : i32
    %add3A_7 = arith.addi %mul3A_4, %add3A_6 : i32
    %dma_start3A_8 = tpu.memref_slice %arg4[%add3A_7] : memref<323584xi32, #tpu.memory_space<hbm>> -> memref<128xi32, #tpu.memory_space<hbm>>
    %dma_start3A_9 = tpu.memref_slice %arg4[%add3A_7] : memref<323584xi32, #tpu.memory_space<hbm>> -> memref<128xi32, #tpu.memory_space<hbm>>
    tpu.enqueue_dma source(%dma_start3A_9 : memref<128xi32, #tpu.memory_space<hbm>>) target(%arg7 : memref<128xi32, #tpu.memory_space<vmem>>) target_semaphore(%arg11 : memref<!tpu.dma_semaphore, #tpu.memory_space<semaphore_mem>>)
    %scan3A = arith.constant 0 : i32
    %scan3A_10 = arith.constant 0 : i32
    %scan3A_11 = arith.constant 38 : i32
    %scan3A_12 = arith.addi %scan3A_10, %scan3A_11 : i32
    %scan3A_13 = arith.constant 1 : i32
    scf.for %scan3A_31 = %scan3A_10 to %scan3A_12 step %scan3A_13  : i32 {
      %mul3A_32 = arith.constant 2 : i32
      %mul3A_33 = arith.muli %mul3A_32, %scan3A_31 : i32
      %mul3A_34 = arith.constant 128 : i32
      %mul3A_35 = arith.muli %mul3A_33, %mul3A_34 : i32
      %add3A_36 = arith.addi %mul3A_4, %mul3A_35 : i32
      %dma_wait3A_37 = tpu.memref_slice %arg4[%add3A_36] : memref<323584xi32, #tpu.memory_space<hbm>> -> memref<128xi32, #tpu.memory_space<hbm>>
      %dma_wait3A_38 = tpu.memref_slice %arg4[%add3A_36] : memref<323584xi32, #tpu.memory_space<hbm>> -> memref<128xi32, #tpu.memory_space<hbm>>
      tpu.wait_dma2 semaphore(%arg10 : memref<!tpu.dma_semaphore, #tpu.memory_space<semaphore_mem>>) src(%dma_wait3A_38 : memref<128xi32, #tpu.memory_space<hbm>>) dst(%arg6 : memref<128xi32, #tpu.memory_space<vmem>>)
      "tpu.region"() ({
        %run_scoped3A = tpu.sem_alloc : memref<!tpu.dma_semaphore, #tpu.memory_space<semaphore_mem>>
        %dma_start3A_60 = arith.constant 0 : i32
        %dma_start3A_61 = arith.constant 0 : i32
        %dma_start3A_62 = tpu.memref_slice %arg9[%dma_start3A_60, %dma_start3A_61] : memref<10112x128xf32, #tpu.memory_space<vmem_shared>> -> memref<10112x128xf32, #tpu.memory_space<vmem_shared>>
        tpu.enqueue_indirect_dma source(%arg8 : memref<128x128xf32, #tpu.memory_space<vmem>>) target(%dma_start3A_62 : memref<10112x128xf32, #tpu.memory_space<vmem_shared>>) offsets(%arg6 : memref<128xi32, #tpu.memory_space<vmem>>) semaphore(%run_scoped3A : memref<!tpu.dma_semaphore, #tpu.memory_space<semaphore_mem>>) {add = true}
        %dma_wait3A_63 = arith.constant 0 : i32
        %dma_wait3A_64 = arith.constant 0 : i32
        %dma_wait3A_65 = tpu.memref_slice %arg9[%dma_wait3A_63, %dma_wait3A_64] : memref<10112x128xf32, #tpu.memory_space<vmem_shared>> -> memref<10112x128xf32, #tpu.memory_space<vmem_shared>>
        tpu.wait_indirect_dma semaphore(%run_scoped3A : memref<!tpu.dma_semaphore, #tpu.memory_space<semaphore_mem>>) src(%arg8 : memref<128x128xf32, #tpu.memory_space<vmem>>) dst(%dma_wait3A_65 : memref<10112x128xf32, #tpu.memory_space<vmem_shared>>)
        tpu.yield
      }) : () -> ()
      %add3A_39 = arith.constant 2 : i32
      %add3A_40 = arith.addi %mul3A_33, %add3A_39 : i32
      %mul3A_41 = arith.constant 128 : i32
      %mul3A_42 = arith.muli %add3A_40, %mul3A_41 : i32
      %add3A_43 = arith.addi %mul3A_4, %mul3A_42 : i32
      %dma_start3A_44 = tpu.memref_slice %arg4[%add3A_43] : memref<323584xi32, #tpu.memory_space<hbm>> -> memref<128xi32, #tpu.memory_space<hbm>>
      %dma_start3A_45 = tpu.memref_slice %arg4[%add3A_43] : memref<323584xi32, #tpu.memory_space<hbm>> -> memref<128xi32, #tpu.memory_space<hbm>>
      tpu.enqueue_dma source(%dma_start3A_45 : memref<128xi32, #tpu.memory_space<hbm>>) target(%arg6 : memref<128xi32, #tpu.memory_space<vmem>>) target_semaphore(%arg10 : memref<!tpu.dma_semaphore, #tpu.memory_space<semaphore_mem>>)
      %add3A_46 = arith.constant 1 : i32
      %add3A_47 = arith.addi %mul3A_33, %add3A_46 : i32
      %mul3A_48 = arith.constant 128 : i32
      %mul3A_49 = arith.muli %add3A_47, %mul3A_48 : i32
      %add3A_50 = arith.addi %mul3A_4, %mul3A_49 : i32
      %dma_wait3A_51 = tpu.memref_slice %arg4[%add3A_50] : memref<323584xi32, #tpu.memory_space<hbm>> -> memref<128xi32, #tpu.memory_space<hbm>>
      %dma_wait3A_52 = tpu.memref_slice %arg4[%add3A_50] : memref<323584xi32, #tpu.memory_space<hbm>> -> memref<128xi32, #tpu.memory_space<hbm>>
      tpu.wait_dma2 semaphore(%arg11 : memref<!tpu.dma_semaphore, #tpu.memory_space<semaphore_mem>>) src(%dma_wait3A_52 : memref<128xi32, #tpu.memory_space<hbm>>) dst(%arg7 : memref<128xi32, #tpu.memory_space<vmem>>)
      "tpu.region"() ({
        %run_scoped3A = tpu.sem_alloc : memref<!tpu.dma_semaphore, #tpu.memory_space<semaphore_mem>>
        %dma_start3A_60 = arith.constant 0 : i32
        %dma_start3A_61 = arith.constant 0 : i32
        %dma_start3A_62 = tpu.memref_slice %arg9[%dma_start3A_60, %dma_start3A_61] : memref<10112x128xf32, #tpu.memory_space<vmem_shared>> -> memref<10112x128xf32, #tpu.memory_space<vmem_shared>>
        tpu.enqueue_indirect_dma source(%arg8 : memref<128x128xf32, #tpu.memory_space<vmem>>) target(%dma_start3A_62 : memref<10112x128xf32, #tpu.memory_space<vmem_shared>>) offsets(%arg7 : memref<128xi32, #tpu.memory_space<vmem>>) semaphore(%run_scoped3A : memref<!tpu.dma_semaphore, #tpu.memory_space<semaphore_mem>>) {add = true}
        %dma_wait3A_63 = arith.constant 0 : i32
        %dma_wait3A_64 = arith.constant 0 : i32
        %dma_wait3A_65 = tpu.memref_slice %arg9[%dma_wait3A_63, %dma_wait3A_64] : memref<10112x128xf32, #tpu.memory_space<vmem_shared>> -> memref<10112x128xf32, #tpu.memory_space<vmem_shared>>
        tpu.wait_indirect_dma semaphore(%run_scoped3A : memref<!tpu.dma_semaphore, #tpu.memory_space<semaphore_mem>>) src(%arg8 : memref<128x128xf32, #tpu.memory_space<vmem>>) dst(%dma_wait3A_65 : memref<10112x128xf32, #tpu.memory_space<vmem_shared>>)
        tpu.yield
      }) : () -> ()
      %add3A_53 = arith.constant 3 : i32
      %add3A_54 = arith.addi %mul3A_33, %add3A_53 : i32
      %mul3A_55 = arith.constant 128 : i32
      %mul3A_56 = arith.muli %add3A_54, %mul3A_55 : i32
      %add3A_57 = arith.addi %mul3A_4, %mul3A_56 : i32
      %dma_start3A_58 = tpu.memref_slice %arg4[%add3A_57] : memref<323584xi32, #tpu.memory_space<hbm>> -> memref<128xi32, #tpu.memory_space<hbm>>
      %dma_start3A_59 = tpu.memref_slice %arg4[%add3A_57] : memref<323584xi32, #tpu.memory_space<hbm>> -> memref<128xi32, #tpu.memory_space<hbm>>
      tpu.enqueue_dma source(%dma_start3A_59 : memref<128xi32, #tpu.memory_space<hbm>>) target(%arg7 : memref<128xi32, #tpu.memory_space<vmem>>) target_semaphore(%arg11 : memref<!tpu.dma_semaphore, #tpu.memory_space<semaphore_mem>>)
    }
    %scan3A_14 = arith.constant 38 : i32
    %add3A_15 = arith.constant 9728 : i32
    %add3A_16 = arith.addi %mul3A_4, %add3A_15 : i32
    %dma_wait3A = tpu.memref_slice %arg4[%add3A_16] : memref<323584xi32, #tpu.memory_space<hbm>> -> memref<128xi32, #tpu.memory_space<hbm>>
    %dma_wait3A_17 = tpu.memref_slice %arg4[%add3A_16] : memref<323584xi32, #tpu.memory_space<hbm>> -> memref<128xi32, #tpu.memory_space<hbm>>
    tpu.wait_dma2 semaphore(%arg10 : memref<!tpu.dma_semaphore, #tpu.memory_space<semaphore_mem>>) src(%dma_wait3A_17 : memref<128xi32, #tpu.memory_space<hbm>>) dst(%arg6 : memref<128xi32, #tpu.memory_space<vmem>>)
    "tpu.region"() ({
      %run_scoped3A = tpu.sem_alloc : memref<!tpu.dma_semaphore, #tpu.memory_space<semaphore_mem>>
      %dma_start3A_31 = arith.constant 0 : i32
      %dma_start3A_32 = arith.constant 0 : i32
      %dma_start3A_33 = tpu.memref_slice %arg9[%dma_start3A_31, %dma_start3A_32] : memref<10112x128xf32, #tpu.memory_space<vmem_shared>> -> memref<10112x128xf32, #tpu.memory_space<vmem_shared>>
      tpu.enqueue_indirect_dma source(%arg8 : memref<128x128xf32, #tpu.memory_space<vmem>>) target(%dma_start3A_33 : memref<10112x128xf32, #tpu.memory_space<vmem_shared>>) offsets(%arg6 : memref<128xi32, #tpu.memory_space<vmem>>) semaphore(%run_scoped3A : memref<!tpu.dma_semaphore, #tpu.memory_space<semaphore_mem>>) {add = true}
      %dma_wait3A_34 = arith.constant 0 : i32
      %dma_wait3A_35 = arith.constant 0 : i32
      %dma_wait3A_36 = tpu.memref_slice %arg9[%dma_wait3A_34, %dma_wait3A_35] : memref<10112x128xf32, #tpu.memory_space<vmem_shared>> -> memref<10112x128xf32, #tpu.memory_space<vmem_shared>>
      tpu.wait_indirect_dma semaphore(%run_scoped3A : memref<!tpu.dma_semaphore, #tpu.memory_space<semaphore_mem>>) src(%arg8 : memref<128x128xf32, #tpu.memory_space<vmem>>) dst(%dma_wait3A_36 : memref<10112x128xf32, #tpu.memory_space<vmem_shared>>)
      tpu.yield
    }) : () -> ()
    %add3A_18 = arith.constant 9984 : i32
    %add3A_19 = arith.addi %mul3A_4, %add3A_18 : i32
    %dma_start3A_20 = tpu.memref_slice %arg4[%add3A_19] : memref<323584xi32, #tpu.memory_space<hbm>> -> memref<128xi32, #tpu.memory_space<hbm>>
    %dma_start3A_21 = tpu.memref_slice %arg4[%add3A_19] : memref<323584xi32, #tpu.memory_space<hbm>> -> memref<128xi32, #tpu.memory_space<hbm>>
    tpu.enqueue_dma source(%dma_start3A_21 : memref<128xi32, #tpu.memory_space<hbm>>) target(%arg6 : memref<128xi32, #tpu.memory_space<vmem>>) target_semaphore(%arg10 : memref<!tpu.dma_semaphore, #tpu.memory_space<semaphore_mem>>)
    %add3A_22 = arith.constant 9856 : i32
    %add3A_23 = arith.addi %mul3A_4, %add3A_22 : i32
    %dma_wait3A_24 = tpu.memref_slice %arg4[%add3A_23] : memref<323584xi32, #tpu.memory_space<hbm>> -> memref<128xi32, #tpu.memory_space<hbm>>
    %dma_wait3A_25 = tpu.memref_slice %arg4[%add3A_23] : memref<323584xi32, #tpu.memory_space<hbm>> -> memref<128xi32, #tpu.memory_space<hbm>>
    tpu.wait_dma2 semaphore(%arg11 : memref<!tpu.dma_semaphore, #tpu.memory_space<semaphore_mem>>) src(%dma_wait3A_25 : memref<128xi32, #tpu.memory_space<hbm>>) dst(%arg7 : memref<128xi32, #tpu.memory_space<vmem>>)
    "tpu.region"() ({
      %run_scoped3A = tpu.sem_alloc : memref<!tpu.dma_semaphore, #tpu.memory_space<semaphore_mem>>
      %dma_start3A_31 = arith.constant 0 : i32
      %dma_start3A_32 = arith.constant 0 : i32
      %dma_start3A_33 = tpu.memref_slice %arg9[%dma_start3A_31, %dma_start3A_32] : memref<10112x128xf32, #tpu.memory_space<vmem_shared>> -> memref<10112x128xf32, #tpu.memory_space<vmem_shared>>
      tpu.enqueue_indirect_dma source(%arg8 : memref<128x128xf32, #tpu.memory_space<vmem>>) target(%dma_start3A_33 : memref<10112x128xf32, #tpu.memory_space<vmem_shared>>) offsets(%arg7 : memref<128xi32, #tpu.memory_space<vmem>>) semaphore(%run_scoped3A : memref<!tpu.dma_semaphore, #tpu.memory_space<semaphore_mem>>) {add = true}
      %dma_wait3A_34 = arith.constant 0 : i32
      %dma_wait3A_35 = arith.constant 0 : i32
      %dma_wait3A_36 = tpu.memref_slice %arg9[%dma_wait3A_34, %dma_wait3A_35] : memref<10112x128xf32, #tpu.memory_space<vmem_shared>> -> memref<10112x128xf32, #tpu.memory_space<vmem_shared>>
      tpu.wait_indirect_dma semaphore(%run_scoped3A : memref<!tpu.dma_semaphore, #tpu.memory_space<semaphore_mem>>) src(%arg8 : memref<128x128xf32, #tpu.memory_space<vmem>>) dst(%dma_wait3A_36 : memref<10112x128xf32, #tpu.memory_space<vmem_shared>>)
      tpu.yield
    }) : () -> ()
    %add3A_26 = arith.constant 9984 : i32
    %add3A_27 = arith.addi %mul3A_4, %add3A_26 : i32
    %dma_wait3A_28 = tpu.memref_slice %arg4[%add3A_27] : memref<323584xi32, #tpu.memory_space<hbm>> -> memref<128xi32, #tpu.memory_space<hbm>>
    %dma_wait3A_29 = tpu.memref_slice %arg4[%add3A_27] : memref<323584xi32, #tpu.memory_space<hbm>> -> memref<128xi32, #tpu.memory_space<hbm>>
    tpu.wait_dma2 semaphore(%arg10 : memref<!tpu.dma_semaphore, #tpu.memory_space<semaphore_mem>>) src(%dma_wait3A_29 : memref<128xi32, #tpu.memory_space<hbm>>) dst(%arg6 : memref<128xi32, #tpu.memory_space<vmem>>)
    "tpu.region"() ({
      %run_scoped3A = tpu.sem_alloc : memref<!tpu.dma_semaphore, #tpu.memory_space<semaphore_mem>>
      %dma_start3A_31 = arith.constant 0 : i32
      %dma_start3A_32 = arith.constant 0 : i32
      %dma_start3A_33 = tpu.memref_slice %arg9[%dma_start3A_31, %dma_start3A_32] : memref<10112x128xf32, #tpu.memory_space<vmem_shared>> -> memref<10112x128xf32, #tpu.memory_space<vmem_shared>>
      tpu.enqueue_indirect_dma source(%arg8 : memref<128x128xf32, #tpu.memory_space<vmem>>) target(%dma_start3A_33 : memref<10112x128xf32, #tpu.memory_space<vmem_shared>>) offsets(%arg6 : memref<128xi32, #tpu.memory_space<vmem>>) semaphore(%run_scoped3A : memref<!tpu.dma_semaphore, #tpu.memory_space<semaphore_mem>>) {add = true}
      %dma_wait3A_34 = arith.constant 0 : i32
      %dma_wait3A_35 = arith.constant 0 : i32
      %dma_wait3A_36 = tpu.memref_slice %arg9[%dma_wait3A_34, %dma_wait3A_35] : memref<10112x128xf32, #tpu.memory_space<vmem_shared>> -> memref<10112x128xf32, #tpu.memory_space<vmem_shared>>
      tpu.wait_indirect_dma semaphore(%run_scoped3A : memref<!tpu.dma_semaphore, #tpu.memory_space<semaphore_mem>>) src(%arg8 : memref<128x128xf32, #tpu.memory_space<vmem>>) dst(%dma_wait3A_36 : memref<10112x128xf32, #tpu.memory_space<vmem_shared>>)
      tpu.yield
    }) : () -> ()
    %barrier3A_30 = arith.constant 0 : index
    tpu.barrier barrier_id(%barrier3A_30)
    "tpu.region"() ({
      %run_scoped3A = tpu.sem_alloc : memref<!tpu.dma_semaphore, #tpu.memory_space<semaphore_mem>>
      %dma_start3A_31 = arith.constant 0 : i32
      %dma_start3A_32 = tpu.memref_slice %arg5[%arg0, %mul3A_0, %dma_start3A_31] : memref<2x10112x128xf32, #tpu.memory_space<hbm>> -> memref<1x632x128xf32, #tpu.memory_space<hbm>>
      %dma_start3A_33 = tpu.memref_squeeze %dma_start3A_32 : memref<1x632x128xf32, #tpu.memory_space<hbm>> -> memref<632x128xf32, #tpu.memory_space<hbm>>
      %dma_start3A_34 = arith.constant 0 : i32
      %dma_start3A_35 = tpu.memref_slice %arg9[%mul3A_0, %dma_start3A_34] : memref<10112x128xf32, #tpu.memory_space<vmem_shared>> -> memref<632x128xf32, #tpu.memory_space<vmem_shared>>
      tpu.enqueue_dma source(%dma_start3A_35 : memref<632x128xf32, #tpu.memory_space<vmem_shared>>) target(%dma_start3A_33 : memref<632x128xf32, #tpu.memory_space<hbm>>) target_semaphore(%run_scoped3A : memref<!tpu.dma_semaphore, #tpu.memory_space<semaphore_mem>>)
      %dma_wait3A_36 = arith.constant 0 : i32
      %dma_wait3A_37 = tpu.memref_slice %arg5[%arg0, %mul3A_0, %dma_wait3A_36] : memref<2x10112x128xf32, #tpu.memory_space<hbm>> -> memref<1x632x128xf32, #tpu.memory_space<hbm>>
      %dma_wait3A_38 = tpu.memref_squeeze %dma_wait3A_37 : memref<1x632x128xf32, #tpu.memory_space<hbm>> -> memref<632x128xf32, #tpu.memory_space<hbm>>
      %dma_wait3A_39 = arith.constant 0 : i32
      %dma_wait3A_40 = tpu.memref_slice %arg9[%mul3A_0, %dma_wait3A_39] : memref<10112x128xf32, #tpu.memory_space<vmem_shared>> -> memref<632x128xf32, #tpu.memory_space<vmem_shared>>
      tpu.wait_dma2 semaphore(%run_scoped3A : memref<!tpu.dma_semaphore, #tpu.memory_space<semaphore_mem>>) src(%dma_wait3A_40 : memref<632x128xf32, #tpu.memory_space<vmem_shared>>) dst(%dma_wait3A_38 : memref<632x128xf32, #tpu.memory_space<hbm>>)
      tpu.yield
    }) : () -> ()
    return
  }
}

#map = affine_map<(d0, d1) -> (0, 0, 0)>
#map1 = affine_map<(d0, d1) -> (0)>
module attributes {stable_mosaic.version = 14 : i64} {
  func.func @_agg_kernel(%arg0: i32, %arg1: i32, %arg2: memref<2x10112x128xf32, #tpu.memory_space<hbm>>, %arg3: memref<2x10112x128xf32, #tpu.memory_space<hbm>>, %arg4: memref<323584xi32, #tpu.memory_space<hbm>>, %arg5: memref<323584xi32, #tpu.memory_space<hbm>>, %arg6: memref<2x10112x128xf32, #tpu.memory_space<hbm>>, %arg7: memref<128xi32, #tpu.memory_space<vmem>>, %arg8: memref<128xi32, #tpu.memory_space<vmem>>, %arg9: memref<128xi32, #tpu.memory_space<vmem>>, %arg10: memref<128xi32, #tpu.memory_space<vmem>>, %arg11: memref<128x128xf32, #tpu.memory_space<vmem>>, %arg12: memref<128x128xf32, #tpu.memory_space<vmem>>, %arg13: memref<10112x128xf32, #tpu.memory_space<vmem_shared>>, %arg14: memref<!tpu.dma_semaphore, #tpu.memory_space<semaphore_mem>>, %arg15: memref<!tpu.dma_semaphore, #tpu.memory_space<semaphore_mem>>) attributes {dimension_semantics = [#tpu.dimension_semantics<core_parallel>, #tpu.dimension_semantics<subcore_parallel>], iteration_bounds = array<i64: 2, 16>, scalar_prefetch = 0 : i64, scratch_operands = 9 : i64, tpu.core_type = #tpu.core_type<sc_vector_subcore>, window_params = [{transform_indices = #map}, {transform_indices = #map}, {transform_indices = #map1}, {transform_indices = #map1}, {transform_indices = #map}]} {
    %mul3A = arith.constant 632 : i32
    %mul3A_0 = arith.muli %arg1, %mul3A : i32
    %mul3A_1 = arith.constant 2 : i32
    %mul3A_2 = arith.muli %arg1, %mul3A_1 : i32
    %add3A = arith.addi %mul3A_2, %arg0 : i32
    %mul3A_3 = arith.constant 10112 : i32
    %mul3A_4 = arith.muli %add3A, %mul3A_3 : i32
    "tpu.region"() ({
      %run_scoped3A = tpu.sem_alloc : memref<!tpu.dma_semaphore, #tpu.memory_space<semaphore_mem>>
      %dma_start3A_61 = arith.constant 0 : i32
      %dma_start3A_62 = tpu.memref_slice %arg13[%mul3A_0, %dma_start3A_61] : memref<10112x128xf32, #tpu.memory_space<vmem_shared>> -> memref<632x128xf32, #tpu.memory_space<vmem_shared>>
      %dma_start3A_63 = arith.constant 0 : i32
      %dma_start3A_64 = arith.constant 0 : i32
      %dma_start3A_65 = tpu.memref_slice %arg3[%arg0, %dma_start3A_63, %dma_start3A_64] : memref<2x10112x128xf32, #tpu.memory_space<hbm>> -> memref<1x10112x128xf32, #tpu.memory_space<hbm>>
      %dma_start3A_66 = tpu.memref_squeeze %dma_start3A_65 : memref<1x10112x128xf32, #tpu.memory_space<hbm>> -> memref<10112x128xf32, #tpu.memory_space<hbm>>
      %dma_start3A_67 = arith.constant 0 : i32
      %dma_start3A_68 = tpu.memref_slice %dma_start3A_66[%mul3A_0, %dma_start3A_67] : memref<10112x128xf32, #tpu.memory_space<hbm>> -> memref<632x128xf32, #tpu.memory_space<hbm>>
      tpu.enqueue_dma source(%dma_start3A_68 : memref<632x128xf32, #tpu.memory_space<hbm>>) target(%dma_start3A_62 : memref<632x128xf32, #tpu.memory_space<vmem_shared>>) target_semaphore(%run_scoped3A : memref<!tpu.dma_semaphore, #tpu.memory_space<semaphore_mem>>)
      %dma_wait3A_69 = arith.constant 0 : i32
      %dma_wait3A_70 = tpu.memref_slice %arg13[%mul3A_0, %dma_wait3A_69] : memref<10112x128xf32, #tpu.memory_space<vmem_shared>> -> memref<632x128xf32, #tpu.memory_space<vmem_shared>>
      %dma_wait3A_71 = arith.constant 0 : i32
      %dma_wait3A_72 = arith.constant 0 : i32
      %dma_wait3A_73 = tpu.memref_slice %arg3[%arg0, %dma_wait3A_71, %dma_wait3A_72] : memref<2x10112x128xf32, #tpu.memory_space<hbm>> -> memref<1x10112x128xf32, #tpu.memory_space<hbm>>
      %dma_wait3A_74 = tpu.memref_squeeze %dma_wait3A_73 : memref<1x10112x128xf32, #tpu.memory_space<hbm>> -> memref<10112x128xf32, #tpu.memory_space<hbm>>
      %dma_wait3A_75 = arith.constant 0 : i32
      %dma_wait3A_76 = tpu.memref_slice %dma_wait3A_74[%mul3A_0, %dma_wait3A_75] : memref<10112x128xf32, #tpu.memory_space<hbm>> -> memref<632x128xf32, #tpu.memory_space<hbm>>
      tpu.wait_dma2 semaphore(%run_scoped3A : memref<!tpu.dma_semaphore, #tpu.memory_space<semaphore_mem>>) src(%dma_wait3A_76 : memref<632x128xf32, #tpu.memory_space<hbm>>) dst(%dma_wait3A_70 : memref<632x128xf32, #tpu.memory_space<vmem_shared>>)
      tpu.yield
    }) : () -> ()
    %barrier3A = arith.constant 0 : index
    tpu.barrier barrier_id(%barrier3A)
    "tpu.region"() ({
      %run_scoped3A = tpu.sem_alloc : memref<!tpu.dma_semaphore, #tpu.memory_space<semaphore_mem>>
      %dma_start3A_61 = tpu.memref_slice %arg4[%mul3A_4] : memref<323584xi32, #tpu.memory_space<hbm>> -> memref<128xi32, #tpu.memory_space<hbm>>
      %dma_start3A_62 = tpu.memref_slice %arg4[%mul3A_4] : memref<323584xi32, #tpu.memory_space<hbm>> -> memref<128xi32, #tpu.memory_space<hbm>>
      tpu.enqueue_dma source(%dma_start3A_62 : memref<128xi32, #tpu.memory_space<hbm>>) target(%arg7 : memref<128xi32, #tpu.memory_space<vmem>>) target_semaphore(%run_scoped3A : memref<!tpu.dma_semaphore, #tpu.memory_space<semaphore_mem>>)
      %dma_wait3A_63 = tpu.memref_slice %arg4[%mul3A_4] : memref<323584xi32, #tpu.memory_space<hbm>> -> memref<128xi32, #tpu.memory_space<hbm>>
      %dma_wait3A_64 = tpu.memref_slice %arg4[%mul3A_4] : memref<323584xi32, #tpu.memory_space<hbm>> -> memref<128xi32, #tpu.memory_space<hbm>>
      tpu.wait_dma2 semaphore(%run_scoped3A : memref<!tpu.dma_semaphore, #tpu.memory_space<semaphore_mem>>) src(%dma_wait3A_64 : memref<128xi32, #tpu.memory_space<hbm>>) dst(%arg7 : memref<128xi32, #tpu.memory_space<vmem>>)
      tpu.yield
    }) : () -> ()
    %dma_start3A = arith.constant 0 : i32
    %dma_start3A_5 = arith.constant 0 : i32
    %dma_start3A_6 = tpu.memref_slice %arg2[%arg0, %dma_start3A, %dma_start3A_5] : memref<2x10112x128xf32, #tpu.memory_space<hbm>> -> memref<1x10112x128xf32, #tpu.memory_space<hbm>>
    %dma_start3A_7 = tpu.memref_squeeze %dma_start3A_6 : memref<1x10112x128xf32, #tpu.memory_space<hbm>> -> memref<10112x128xf32, #tpu.memory_space<hbm>>
    %dma_start3A_8 = arith.constant 0 : i32
    %dma_start3A_9 = arith.constant 0 : i32
    %dma_start3A_10 = tpu.memref_slice %dma_start3A_7[%dma_start3A_8, %dma_start3A_9] : memref<10112x128xf32, #tpu.memory_space<hbm>> -> memref<10112x128xf32, #tpu.memory_space<hbm>>
    tpu.enqueue_indirect_dma source(%dma_start3A_10 : memref<10112x128xf32, #tpu.memory_space<hbm>>) target(%arg11 : memref<128x128xf32, #tpu.memory_space<vmem>>) offsets(%arg7 : memref<128xi32, #tpu.memory_space<vmem>>) semaphore(%arg14 : memref<!tpu.dma_semaphore, #tpu.memory_space<semaphore_mem>>)
    %add3A_11 = arith.constant 128 : i32
    %add3A_12 = arith.addi %mul3A_4, %add3A_11 : i32
    "tpu.region"() ({
      %run_scoped3A = tpu.sem_alloc : memref<!tpu.dma_semaphore, #tpu.memory_space<semaphore_mem>>
      %dma_start3A_61 = tpu.memref_slice %arg4[%add3A_12] : memref<323584xi32, #tpu.memory_space<hbm>> -> memref<128xi32, #tpu.memory_space<hbm>>
      %dma_start3A_62 = tpu.memref_slice %arg4[%add3A_12] : memref<323584xi32, #tpu.memory_space<hbm>> -> memref<128xi32, #tpu.memory_space<hbm>>
      tpu.enqueue_dma source(%dma_start3A_62 : memref<128xi32, #tpu.memory_space<hbm>>) target(%arg8 : memref<128xi32, #tpu.memory_space<vmem>>) target_semaphore(%run_scoped3A : memref<!tpu.dma_semaphore, #tpu.memory_space<semaphore_mem>>)
      %dma_wait3A_63 = tpu.memref_slice %arg4[%add3A_12] : memref<323584xi32, #tpu.memory_space<hbm>> -> memref<128xi32, #tpu.memory_space<hbm>>
      %dma_wait3A_64 = tpu.memref_slice %arg4[%add3A_12] : memref<323584xi32, #tpu.memory_space<hbm>> -> memref<128xi32, #tpu.memory_space<hbm>>
      tpu.wait_dma2 semaphore(%run_scoped3A : memref<!tpu.dma_semaphore, #tpu.memory_space<semaphore_mem>>) src(%dma_wait3A_64 : memref<128xi32, #tpu.memory_space<hbm>>) dst(%arg8 : memref<128xi32, #tpu.memory_space<vmem>>)
      tpu.yield
    }) : () -> ()
    %dma_start3A_13 = arith.constant 0 : i32
    %dma_start3A_14 = arith.constant 0 : i32
    %dma_start3A_15 = tpu.memref_slice %arg2[%arg0, %dma_start3A_13, %dma_start3A_14] : memref<2x10112x128xf32, #tpu.memory_space<hbm>> -> memref<1x10112x128xf32, #tpu.memory_space<hbm>>
    %dma_start3A_16 = tpu.memref_squeeze %dma_start3A_15 : memref<1x10112x128xf32, #tpu.memory_space<hbm>> -> memref<10112x128xf32, #tpu.memory_space<hbm>>
    %dma_start3A_17 = arith.constant 0 : i32
    %dma_start3A_18 = arith.constant 0 : i32
    %dma_start3A_19 = tpu.memref_slice %dma_start3A_16[%dma_start3A_17, %dma_start3A_18] : memref<10112x128xf32, #tpu.memory_space<hbm>> -> memref<10112x128xf32, #tpu.memory_space<hbm>>
    tpu.enqueue_indirect_dma source(%dma_start3A_19 : memref<10112x128xf32, #tpu.memory_space<hbm>>) target(%arg12 : memref<128x128xf32, #tpu.memory_space<vmem>>) offsets(%arg8 : memref<128xi32, #tpu.memory_space<vmem>>) semaphore(%arg15 : memref<!tpu.dma_semaphore, #tpu.memory_space<semaphore_mem>>)
    %scan3A = arith.constant 0 : i32
    %scan3A_20 = arith.constant 0 : i32
    %scan3A_21 = arith.constant 38 : i32
    %scan3A_22 = arith.addi %scan3A_20, %scan3A_21 : i32
    %scan3A_23 = arith.constant 1 : i32
    scf.for %scan3A_61 = %scan3A_20 to %scan3A_22 step %scan3A_23  : i32 {
      %mul3A_62 = arith.constant 2 : i32
      %mul3A_63 = arith.muli %mul3A_62, %scan3A_61 : i32
      %dma_wait3A_64 = arith.constant 0 : i32
      %dma_wait3A_65 = arith.constant 0 : i32
      %dma_wait3A_66 = tpu.memref_slice %arg2[%arg0, %dma_wait3A_64, %dma_wait3A_65] : memref<2x10112x128xf32, #tpu.memory_space<hbm>> -> memref<1x10112x128xf32, #tpu.memory_space<hbm>>
      %dma_wait3A_67 = tpu.memref_squeeze %dma_wait3A_66 : memref<1x10112x128xf32, #tpu.memory_space<hbm>> -> memref<10112x128xf32, #tpu.memory_space<hbm>>
      %dma_wait3A_68 = arith.constant 0 : i32
      %dma_wait3A_69 = arith.constant 0 : i32
      %dma_wait3A_70 = tpu.memref_slice %dma_wait3A_67[%dma_wait3A_68, %dma_wait3A_69] : memref<10112x128xf32, #tpu.memory_space<hbm>> -> memref<10112x128xf32, #tpu.memory_space<hbm>>
      tpu.wait_indirect_dma semaphore(%arg14 : memref<!tpu.dma_semaphore, #tpu.memory_space<semaphore_mem>>) src(%dma_wait3A_70 : memref<10112x128xf32, #tpu.memory_space<hbm>>) dst(%arg11 : memref<128x128xf32, #tpu.memory_space<vmem>>)
      %mul3A_71 = arith.constant 128 : i32
      %mul3A_72 = arith.muli %mul3A_63, %mul3A_71 : i32
      %add3A_73 = arith.addi %mul3A_4, %mul3A_72 : i32
      "tpu.region"() ({
        %run_scoped3A = tpu.sem_alloc : memref<!tpu.dma_semaphore, #tpu.memory_space<semaphore_mem>>
        %dma_start3A_110 = tpu.memref_slice %arg5[%add3A_73] : memref<323584xi32, #tpu.memory_space<hbm>> -> memref<128xi32, #tpu.memory_space<hbm>>
        %dma_start3A_111 = tpu.memref_slice %arg5[%add3A_73] : memref<323584xi32, #tpu.memory_space<hbm>> -> memref<128xi32, #tpu.memory_space<hbm>>
        tpu.enqueue_dma source(%dma_start3A_111 : memref<128xi32, #tpu.memory_space<hbm>>) target(%arg9 : memref<128xi32, #tpu.memory_space<vmem>>) target_semaphore(%run_scoped3A : memref<!tpu.dma_semaphore, #tpu.memory_space<semaphore_mem>>)
        %dma_wait3A_112 = tpu.memref_slice %arg5[%add3A_73] : memref<323584xi32, #tpu.memory_space<hbm>> -> memref<128xi32, #tpu.memory_space<hbm>>
        %dma_wait3A_113 = tpu.memref_slice %arg5[%add3A_73] : memref<323584xi32, #tpu.memory_space<hbm>> -> memref<128xi32, #tpu.memory_space<hbm>>
        tpu.wait_dma2 semaphore(%run_scoped3A : memref<!tpu.dma_semaphore, #tpu.memory_space<semaphore_mem>>) src(%dma_wait3A_113 : memref<128xi32, #tpu.memory_space<hbm>>) dst(%arg9 : memref<128xi32, #tpu.memory_space<vmem>>)
        tpu.yield
      }) : () -> ()
      "tpu.region"() ({
        %run_scoped3A = tpu.sem_alloc : memref<!tpu.dma_semaphore, #tpu.memory_space<semaphore_mem>>
        %dma_start3A_110 = arith.constant 0 : i32
        %dma_start3A_111 = arith.constant 0 : i32
        %dma_start3A_112 = tpu.memref_slice %arg13[%dma_start3A_110, %dma_start3A_111] : memref<10112x128xf32, #tpu.memory_space<vmem_shared>> -> memref<10112x128xf32, #tpu.memory_space<vmem_shared>>
        tpu.enqueue_indirect_dma source(%arg11 : memref<128x128xf32, #tpu.memory_space<vmem>>) target(%dma_start3A_112 : memref<10112x128xf32, #tpu.memory_space<vmem_shared>>) offsets(%arg9 : memref<128xi32, #tpu.memory_space<vmem>>) semaphore(%run_scoped3A : memref<!tpu.dma_semaphore, #tpu.memory_space<semaphore_mem>>) {add = true}
        %dma_wait3A_113 = arith.constant 0 : i32
        %dma_wait3A_114 = arith.constant 0 : i32
        %dma_wait3A_115 = tpu.memref_slice %arg13[%dma_wait3A_113, %dma_wait3A_114] : memref<10112x128xf32, #tpu.memory_space<vmem_shared>> -> memref<10112x128xf32, #tpu.memory_space<vmem_shared>>
        tpu.wait_indirect_dma semaphore(%run_scoped3A : memref<!tpu.dma_semaphore, #tpu.memory_space<semaphore_mem>>) src(%arg11 : memref<128x128xf32, #tpu.memory_space<vmem>>) dst(%dma_wait3A_115 : memref<10112x128xf32, #tpu.memory_space<vmem_shared>>)
        tpu.yield
      }) : () -> ()
      %add3A_74 = arith.constant 2 : i32
      %add3A_75 = arith.addi %mul3A_63, %add3A_74 : i32
      %mul3A_76 = arith.constant 128 : i32
      %mul3A_77 = arith.muli %add3A_75, %mul3A_76 : i32
      %add3A_78 = arith.addi %mul3A_4, %mul3A_77 : i32
      "tpu.region"() ({
        %run_scoped3A = tpu.sem_alloc : memref<!tpu.dma_semaphore, #tpu.memory_space<semaphore_mem>>
        %dma_start3A_110 = tpu.memref_slice %arg4[%add3A_78] : memref<323584xi32, #tpu.memory_space<hbm>> -> memref<128xi32, #tpu.memory_space<hbm>>
        %dma_start3A_111 = tpu.memref_slice %arg4[%add3A_78] : memref<323584xi32, #tpu.memory_space<hbm>> -> memref<128xi32, #tpu.memory_space<hbm>>
        tpu.enqueue_dma source(%dma_start3A_111 : memref<128xi32, #tpu.memory_space<hbm>>) target(%arg7 : memref<128xi32, #tpu.memory_space<vmem>>) target_semaphore(%run_scoped3A : memref<!tpu.dma_semaphore, #tpu.memory_space<semaphore_mem>>)
        %dma_wait3A_112 = tpu.memref_slice %arg4[%add3A_78] : memref<323584xi32, #tpu.memory_space<hbm>> -> memref<128xi32, #tpu.memory_space<hbm>>
        %dma_wait3A_113 = tpu.memref_slice %arg4[%add3A_78] : memref<323584xi32, #tpu.memory_space<hbm>> -> memref<128xi32, #tpu.memory_space<hbm>>
        tpu.wait_dma2 semaphore(%run_scoped3A : memref<!tpu.dma_semaphore, #tpu.memory_space<semaphore_mem>>) src(%dma_wait3A_113 : memref<128xi32, #tpu.memory_space<hbm>>) dst(%arg7 : memref<128xi32, #tpu.memory_space<vmem>>)
        tpu.yield
      }) : () -> ()
      %dma_start3A_79 = arith.constant 0 : i32
      %dma_start3A_80 = arith.constant 0 : i32
      %dma_start3A_81 = tpu.memref_slice %arg2[%arg0, %dma_start3A_79, %dma_start3A_80] : memref<2x10112x128xf32, #tpu.memory_space<hbm>> -> memref<1x10112x128xf32, #tpu.memory_space<hbm>>
      %dma_start3A_82 = tpu.memref_squeeze %dma_start3A_81 : memref<1x10112x128xf32, #tpu.memory_space<hbm>> -> memref<10112x128xf32, #tpu.memory_space<hbm>>
      %dma_start3A_83 = arith.constant 0 : i32
      %dma_start3A_84 = arith.constant 0 : i32
      %dma_start3A_85 = tpu.memref_slice %dma_start3A_82[%dma_start3A_83, %dma_start3A_84] : memref<10112x128xf32, #tpu.memory_space<hbm>> -> memref<10112x128xf32, #tpu.memory_space<hbm>>
      tpu.enqueue_indirect_dma source(%dma_start3A_85 : memref<10112x128xf32, #tpu.memory_space<hbm>>) target(%arg11 : memref<128x128xf32, #tpu.memory_space<vmem>>) offsets(%arg7 : memref<128xi32, #tpu.memory_space<vmem>>) semaphore(%arg14 : memref<!tpu.dma_semaphore, #tpu.memory_space<semaphore_mem>>)
      %dma_wait3A_86 = arith.constant 0 : i32
      %dma_wait3A_87 = arith.constant 0 : i32
      %dma_wait3A_88 = tpu.memref_slice %arg2[%arg0, %dma_wait3A_86, %dma_wait3A_87] : memref<2x10112x128xf32, #tpu.memory_space<hbm>> -> memref<1x10112x128xf32, #tpu.memory_space<hbm>>
      %dma_wait3A_89 = tpu.memref_squeeze %dma_wait3A_88 : memref<1x10112x128xf32, #tpu.memory_space<hbm>> -> memref<10112x128xf32, #tpu.memory_space<hbm>>
      %dma_wait3A_90 = arith.constant 0 : i32
      %dma_wait3A_91 = arith.constant 0 : i32
      %dma_wait3A_92 = tpu.memref_slice %dma_wait3A_89[%dma_wait3A_90, %dma_wait3A_91] : memref<10112x128xf32, #tpu.memory_space<hbm>> -> memref<10112x128xf32, #tpu.memory_space<hbm>>
      tpu.wait_indirect_dma semaphore(%arg15 : memref<!tpu.dma_semaphore, #tpu.memory_space<semaphore_mem>>) src(%dma_wait3A_92 : memref<10112x128xf32, #tpu.memory_space<hbm>>) dst(%arg12 : memref<128x128xf32, #tpu.memory_space<vmem>>)
      %add3A_93 = arith.constant 1 : i32
      %add3A_94 = arith.addi %mul3A_63, %add3A_93 : i32
      %mul3A_95 = arith.constant 128 : i32
      %mul3A_96 = arith.muli %add3A_94, %mul3A_95 : i32
      %add3A_97 = arith.addi %mul3A_4, %mul3A_96 : i32
      "tpu.region"() ({
        %run_scoped3A = tpu.sem_alloc : memref<!tpu.dma_semaphore, #tpu.memory_space<semaphore_mem>>
        %dma_start3A_110 = tpu.memref_slice %arg5[%add3A_97] : memref<323584xi32, #tpu.memory_space<hbm>> -> memref<128xi32, #tpu.memory_space<hbm>>
        %dma_start3A_111 = tpu.memref_slice %arg5[%add3A_97] : memref<323584xi32, #tpu.memory_space<hbm>> -> memref<128xi32, #tpu.memory_space<hbm>>
        tpu.enqueue_dma source(%dma_start3A_111 : memref<128xi32, #tpu.memory_space<hbm>>) target(%arg10 : memref<128xi32, #tpu.memory_space<vmem>>) target_semaphore(%run_scoped3A : memref<!tpu.dma_semaphore, #tpu.memory_space<semaphore_mem>>)
        %dma_wait3A_112 = tpu.memref_slice %arg5[%add3A_97] : memref<323584xi32, #tpu.memory_space<hbm>> -> memref<128xi32, #tpu.memory_space<hbm>>
        %dma_wait3A_113 = tpu.memref_slice %arg5[%add3A_97] : memref<323584xi32, #tpu.memory_space<hbm>> -> memref<128xi32, #tpu.memory_space<hbm>>
        tpu.wait_dma2 semaphore(%run_scoped3A : memref<!tpu.dma_semaphore, #tpu.memory_space<semaphore_mem>>) src(%dma_wait3A_113 : memref<128xi32, #tpu.memory_space<hbm>>) dst(%arg10 : memref<128xi32, #tpu.memory_space<vmem>>)
        tpu.yield
      }) : () -> ()
      "tpu.region"() ({
        %run_scoped3A = tpu.sem_alloc : memref<!tpu.dma_semaphore, #tpu.memory_space<semaphore_mem>>
        %dma_start3A_110 = arith.constant 0 : i32
        %dma_start3A_111 = arith.constant 0 : i32
        %dma_start3A_112 = tpu.memref_slice %arg13[%dma_start3A_110, %dma_start3A_111] : memref<10112x128xf32, #tpu.memory_space<vmem_shared>> -> memref<10112x128xf32, #tpu.memory_space<vmem_shared>>
        tpu.enqueue_indirect_dma source(%arg12 : memref<128x128xf32, #tpu.memory_space<vmem>>) target(%dma_start3A_112 : memref<10112x128xf32, #tpu.memory_space<vmem_shared>>) offsets(%arg10 : memref<128xi32, #tpu.memory_space<vmem>>) semaphore(%run_scoped3A : memref<!tpu.dma_semaphore, #tpu.memory_space<semaphore_mem>>) {add = true}
        %dma_wait3A_113 = arith.constant 0 : i32
        %dma_wait3A_114 = arith.constant 0 : i32
        %dma_wait3A_115 = tpu.memref_slice %arg13[%dma_wait3A_113, %dma_wait3A_114] : memref<10112x128xf32, #tpu.memory_space<vmem_shared>> -> memref<10112x128xf32, #tpu.memory_space<vmem_shared>>
        tpu.wait_indirect_dma semaphore(%run_scoped3A : memref<!tpu.dma_semaphore, #tpu.memory_space<semaphore_mem>>) src(%arg12 : memref<128x128xf32, #tpu.memory_space<vmem>>) dst(%dma_wait3A_115 : memref<10112x128xf32, #tpu.memory_space<vmem_shared>>)
        tpu.yield
      }) : () -> ()
      %add3A_98 = arith.constant 3 : i32
      %add3A_99 = arith.addi %mul3A_63, %add3A_98 : i32
      %mul3A_100 = arith.constant 128 : i32
      %mul3A_101 = arith.muli %add3A_99, %mul3A_100 : i32
      %add3A_102 = arith.addi %mul3A_4, %mul3A_101 : i32
      "tpu.region"() ({
        %run_scoped3A = tpu.sem_alloc : memref<!tpu.dma_semaphore, #tpu.memory_space<semaphore_mem>>
        %dma_start3A_110 = tpu.memref_slice %arg4[%add3A_102] : memref<323584xi32, #tpu.memory_space<hbm>> -> memref<128xi32, #tpu.memory_space<hbm>>
        %dma_start3A_111 = tpu.memref_slice %arg4[%add3A_102] : memref<323584xi32, #tpu.memory_space<hbm>> -> memref<128xi32, #tpu.memory_space<hbm>>
        tpu.enqueue_dma source(%dma_start3A_111 : memref<128xi32, #tpu.memory_space<hbm>>) target(%arg8 : memref<128xi32, #tpu.memory_space<vmem>>) target_semaphore(%run_scoped3A : memref<!tpu.dma_semaphore, #tpu.memory_space<semaphore_mem>>)
        %dma_wait3A_112 = tpu.memref_slice %arg4[%add3A_102] : memref<323584xi32, #tpu.memory_space<hbm>> -> memref<128xi32, #tpu.memory_space<hbm>>
        %dma_wait3A_113 = tpu.memref_slice %arg4[%add3A_102] : memref<323584xi32, #tpu.memory_space<hbm>> -> memref<128xi32, #tpu.memory_space<hbm>>
        tpu.wait_dma2 semaphore(%run_scoped3A : memref<!tpu.dma_semaphore, #tpu.memory_space<semaphore_mem>>) src(%dma_wait3A_113 : memref<128xi32, #tpu.memory_space<hbm>>) dst(%arg8 : memref<128xi32, #tpu.memory_space<vmem>>)
        tpu.yield
      }) : () -> ()
      %dma_start3A_103 = arith.constant 0 : i32
      %dma_start3A_104 = arith.constant 0 : i32
      %dma_start3A_105 = tpu.memref_slice %arg2[%arg0, %dma_start3A_103, %dma_start3A_104] : memref<2x10112x128xf32, #tpu.memory_space<hbm>> -> memref<1x10112x128xf32, #tpu.memory_space<hbm>>
      %dma_start3A_106 = tpu.memref_squeeze %dma_start3A_105 : memref<1x10112x128xf32, #tpu.memory_space<hbm>> -> memref<10112x128xf32, #tpu.memory_space<hbm>>
      %dma_start3A_107 = arith.constant 0 : i32
      %dma_start3A_108 = arith.constant 0 : i32
      %dma_start3A_109 = tpu.memref_slice %dma_start3A_106[%dma_start3A_107, %dma_start3A_108] : memref<10112x128xf32, #tpu.memory_space<hbm>> -> memref<10112x128xf32, #tpu.memory_space<hbm>>
      tpu.enqueue_indirect_dma source(%dma_start3A_109 : memref<10112x128xf32, #tpu.memory_space<hbm>>) target(%arg12 : memref<128x128xf32, #tpu.memory_space<vmem>>) offsets(%arg8 : memref<128xi32, #tpu.memory_space<vmem>>) semaphore(%arg15 : memref<!tpu.dma_semaphore, #tpu.memory_space<semaphore_mem>>)
    }
    %scan3A_24 = arith.constant 38 : i32
    %dma_wait3A = arith.constant 0 : i32
    %dma_wait3A_25 = arith.constant 0 : i32
    %dma_wait3A_26 = tpu.memref_slice %arg2[%arg0, %dma_wait3A, %dma_wait3A_25] : memref<2x10112x128xf32, #tpu.memory_space<hbm>> -> memref<1x10112x128xf32, #tpu.memory_space<hbm>>
    %dma_wait3A_27 = tpu.memref_squeeze %dma_wait3A_26 : memref<1x10112x128xf32, #tpu.memory_space<hbm>> -> memref<10112x128xf32, #tpu.memory_space<hbm>>
    %dma_wait3A_28 = arith.constant 0 : i32
    %dma_wait3A_29 = arith.constant 0 : i32
    %dma_wait3A_30 = tpu.memref_slice %dma_wait3A_27[%dma_wait3A_28, %dma_wait3A_29] : memref<10112x128xf32, #tpu.memory_space<hbm>> -> memref<10112x128xf32, #tpu.memory_space<hbm>>
    tpu.wait_indirect_dma semaphore(%arg14 : memref<!tpu.dma_semaphore, #tpu.memory_space<semaphore_mem>>) src(%dma_wait3A_30 : memref<10112x128xf32, #tpu.memory_space<hbm>>) dst(%arg11 : memref<128x128xf32, #tpu.memory_space<vmem>>)
    %add3A_31 = arith.constant 9728 : i32
    %add3A_32 = arith.addi %mul3A_4, %add3A_31 : i32
    "tpu.region"() ({
      %run_scoped3A = tpu.sem_alloc : memref<!tpu.dma_semaphore, #tpu.memory_space<semaphore_mem>>
      %dma_start3A_61 = tpu.memref_slice %arg5[%add3A_32] : memref<323584xi32, #tpu.memory_space<hbm>> -> memref<128xi32, #tpu.memory_space<hbm>>
      %dma_start3A_62 = tpu.memref_slice %arg5[%add3A_32] : memref<323584xi32, #tpu.memory_space<hbm>> -> memref<128xi32, #tpu.memory_space<hbm>>
      tpu.enqueue_dma source(%dma_start3A_62 : memref<128xi32, #tpu.memory_space<hbm>>) target(%arg9 : memref<128xi32, #tpu.memory_space<vmem>>) target_semaphore(%run_scoped3A : memref<!tpu.dma_semaphore, #tpu.memory_space<semaphore_mem>>)
      %dma_wait3A_63 = tpu.memref_slice %arg5[%add3A_32] : memref<323584xi32, #tpu.memory_space<hbm>> -> memref<128xi32, #tpu.memory_space<hbm>>
      %dma_wait3A_64 = tpu.memref_slice %arg5[%add3A_32] : memref<323584xi32, #tpu.memory_space<hbm>> -> memref<128xi32, #tpu.memory_space<hbm>>
      tpu.wait_dma2 semaphore(%run_scoped3A : memref<!tpu.dma_semaphore, #tpu.memory_space<semaphore_mem>>) src(%dma_wait3A_64 : memref<128xi32, #tpu.memory_space<hbm>>) dst(%arg9 : memref<128xi32, #tpu.memory_space<vmem>>)
      tpu.yield
    }) : () -> ()
    "tpu.region"() ({
      %run_scoped3A = tpu.sem_alloc : memref<!tpu.dma_semaphore, #tpu.memory_space<semaphore_mem>>
      %dma_start3A_61 = arith.constant 0 : i32
      %dma_start3A_62 = arith.constant 0 : i32
      %dma_start3A_63 = tpu.memref_slice %arg13[%dma_start3A_61, %dma_start3A_62] : memref<10112x128xf32, #tpu.memory_space<vmem_shared>> -> memref<10112x128xf32, #tpu.memory_space<vmem_shared>>
      tpu.enqueue_indirect_dma source(%arg11 : memref<128x128xf32, #tpu.memory_space<vmem>>) target(%dma_start3A_63 : memref<10112x128xf32, #tpu.memory_space<vmem_shared>>) offsets(%arg9 : memref<128xi32, #tpu.memory_space<vmem>>) semaphore(%run_scoped3A : memref<!tpu.dma_semaphore, #tpu.memory_space<semaphore_mem>>) {add = true}
      %dma_wait3A_64 = arith.constant 0 : i32
      %dma_wait3A_65 = arith.constant 0 : i32
      %dma_wait3A_66 = tpu.memref_slice %arg13[%dma_wait3A_64, %dma_wait3A_65] : memref<10112x128xf32, #tpu.memory_space<vmem_shared>> -> memref<10112x128xf32, #tpu.memory_space<vmem_shared>>
      tpu.wait_indirect_dma semaphore(%run_scoped3A : memref<!tpu.dma_semaphore, #tpu.memory_space<semaphore_mem>>) src(%arg11 : memref<128x128xf32, #tpu.memory_space<vmem>>) dst(%dma_wait3A_66 : memref<10112x128xf32, #tpu.memory_space<vmem_shared>>)
      tpu.yield
    }) : () -> ()
    %add3A_33 = arith.constant 9984 : i32
    %add3A_34 = arith.addi %mul3A_4, %add3A_33 : i32
    "tpu.region"() ({
      %run_scoped3A = tpu.sem_alloc : memref<!tpu.dma_semaphore, #tpu.memory_space<semaphore_mem>>
      %dma_start3A_61 = tpu.memref_slice %arg4[%add3A_34] : memref<323584xi32, #tpu.memory_space<hbm>> -> memref<128xi32, #tpu.memory_space<hbm>>
      %dma_start3A_62 = tpu.memref_slice %arg4[%add3A_34] : memref<323584xi32, #tpu.memory_space<hbm>> -> memref<128xi32, #tpu.memory_space<hbm>>
      tpu.enqueue_dma source(%dma_start3A_62 : memref<128xi32, #tpu.memory_space<hbm>>) target(%arg7 : memref<128xi32, #tpu.memory_space<vmem>>) target_semaphore(%run_scoped3A : memref<!tpu.dma_semaphore, #tpu.memory_space<semaphore_mem>>)
      %dma_wait3A_63 = tpu.memref_slice %arg4[%add3A_34] : memref<323584xi32, #tpu.memory_space<hbm>> -> memref<128xi32, #tpu.memory_space<hbm>>
      %dma_wait3A_64 = tpu.memref_slice %arg4[%add3A_34] : memref<323584xi32, #tpu.memory_space<hbm>> -> memref<128xi32, #tpu.memory_space<hbm>>
      tpu.wait_dma2 semaphore(%run_scoped3A : memref<!tpu.dma_semaphore, #tpu.memory_space<semaphore_mem>>) src(%dma_wait3A_64 : memref<128xi32, #tpu.memory_space<hbm>>) dst(%arg7 : memref<128xi32, #tpu.memory_space<vmem>>)
      tpu.yield
    }) : () -> ()
    %dma_start3A_35 = arith.constant 0 : i32
    %dma_start3A_36 = arith.constant 0 : i32
    %dma_start3A_37 = tpu.memref_slice %arg2[%arg0, %dma_start3A_35, %dma_start3A_36] : memref<2x10112x128xf32, #tpu.memory_space<hbm>> -> memref<1x10112x128xf32, #tpu.memory_space<hbm>>
    %dma_start3A_38 = tpu.memref_squeeze %dma_start3A_37 : memref<1x10112x128xf32, #tpu.memory_space<hbm>> -> memref<10112x128xf32, #tpu.memory_space<hbm>>
    %dma_start3A_39 = arith.constant 0 : i32
    %dma_start3A_40 = arith.constant 0 : i32
    %dma_start3A_41 = tpu.memref_slice %dma_start3A_38[%dma_start3A_39, %dma_start3A_40] : memref<10112x128xf32, #tpu.memory_space<hbm>> -> memref<10112x128xf32, #tpu.memory_space<hbm>>
    tpu.enqueue_indirect_dma source(%dma_start3A_41 : memref<10112x128xf32, #tpu.memory_space<hbm>>) target(%arg11 : memref<128x128xf32, #tpu.memory_space<vmem>>) offsets(%arg7 : memref<128xi32, #tpu.memory_space<vmem>>) semaphore(%arg14 : memref<!tpu.dma_semaphore, #tpu.memory_space<semaphore_mem>>)
    %dma_wait3A_42 = arith.constant 0 : i32
    %dma_wait3A_43 = arith.constant 0 : i32
    %dma_wait3A_44 = tpu.memref_slice %arg2[%arg0, %dma_wait3A_42, %dma_wait3A_43] : memref<2x10112x128xf32, #tpu.memory_space<hbm>> -> memref<1x10112x128xf32, #tpu.memory_space<hbm>>
    %dma_wait3A_45 = tpu.memref_squeeze %dma_wait3A_44 : memref<1x10112x128xf32, #tpu.memory_space<hbm>> -> memref<10112x128xf32, #tpu.memory_space<hbm>>
    %dma_wait3A_46 = arith.constant 0 : i32
    %dma_wait3A_47 = arith.constant 0 : i32
    %dma_wait3A_48 = tpu.memref_slice %dma_wait3A_45[%dma_wait3A_46, %dma_wait3A_47] : memref<10112x128xf32, #tpu.memory_space<hbm>> -> memref<10112x128xf32, #tpu.memory_space<hbm>>
    tpu.wait_indirect_dma semaphore(%arg15 : memref<!tpu.dma_semaphore, #tpu.memory_space<semaphore_mem>>) src(%dma_wait3A_48 : memref<10112x128xf32, #tpu.memory_space<hbm>>) dst(%arg12 : memref<128x128xf32, #tpu.memory_space<vmem>>)
    %add3A_49 = arith.constant 9856 : i32
    %add3A_50 = arith.addi %mul3A_4, %add3A_49 : i32
    "tpu.region"() ({
      %run_scoped3A = tpu.sem_alloc : memref<!tpu.dma_semaphore, #tpu.memory_space<semaphore_mem>>
      %dma_start3A_61 = tpu.memref_slice %arg5[%add3A_50] : memref<323584xi32, #tpu.memory_space<hbm>> -> memref<128xi32, #tpu.memory_space<hbm>>
      %dma_start3A_62 = tpu.memref_slice %arg5[%add3A_50] : memref<323584xi32, #tpu.memory_space<hbm>> -> memref<128xi32, #tpu.memory_space<hbm>>
      tpu.enqueue_dma source(%dma_start3A_62 : memref<128xi32, #tpu.memory_space<hbm>>) target(%arg10 : memref<128xi32, #tpu.memory_space<vmem>>) target_semaphore(%run_scoped3A : memref<!tpu.dma_semaphore, #tpu.memory_space<semaphore_mem>>)
      %dma_wait3A_63 = tpu.memref_slice %arg5[%add3A_50] : memref<323584xi32, #tpu.memory_space<hbm>> -> memref<128xi32, #tpu.memory_space<hbm>>
      %dma_wait3A_64 = tpu.memref_slice %arg5[%add3A_50] : memref<323584xi32, #tpu.memory_space<hbm>> -> memref<128xi32, #tpu.memory_space<hbm>>
      tpu.wait_dma2 semaphore(%run_scoped3A : memref<!tpu.dma_semaphore, #tpu.memory_space<semaphore_mem>>) src(%dma_wait3A_64 : memref<128xi32, #tpu.memory_space<hbm>>) dst(%arg10 : memref<128xi32, #tpu.memory_space<vmem>>)
      tpu.yield
    }) : () -> ()
    "tpu.region"() ({
      %run_scoped3A = tpu.sem_alloc : memref<!tpu.dma_semaphore, #tpu.memory_space<semaphore_mem>>
      %dma_start3A_61 = arith.constant 0 : i32
      %dma_start3A_62 = arith.constant 0 : i32
      %dma_start3A_63 = tpu.memref_slice %arg13[%dma_start3A_61, %dma_start3A_62] : memref<10112x128xf32, #tpu.memory_space<vmem_shared>> -> memref<10112x128xf32, #tpu.memory_space<vmem_shared>>
      tpu.enqueue_indirect_dma source(%arg12 : memref<128x128xf32, #tpu.memory_space<vmem>>) target(%dma_start3A_63 : memref<10112x128xf32, #tpu.memory_space<vmem_shared>>) offsets(%arg10 : memref<128xi32, #tpu.memory_space<vmem>>) semaphore(%run_scoped3A : memref<!tpu.dma_semaphore, #tpu.memory_space<semaphore_mem>>) {add = true}
      %dma_wait3A_64 = arith.constant 0 : i32
      %dma_wait3A_65 = arith.constant 0 : i32
      %dma_wait3A_66 = tpu.memref_slice %arg13[%dma_wait3A_64, %dma_wait3A_65] : memref<10112x128xf32, #tpu.memory_space<vmem_shared>> -> memref<10112x128xf32, #tpu.memory_space<vmem_shared>>
      tpu.wait_indirect_dma semaphore(%run_scoped3A : memref<!tpu.dma_semaphore, #tpu.memory_space<semaphore_mem>>) src(%arg12 : memref<128x128xf32, #tpu.memory_space<vmem>>) dst(%dma_wait3A_66 : memref<10112x128xf32, #tpu.memory_space<vmem_shared>>)
      tpu.yield
    }) : () -> ()
    %dma_wait3A_51 = arith.constant 0 : i32
    %dma_wait3A_52 = arith.constant 0 : i32
    %dma_wait3A_53 = tpu.memref_slice %arg2[%arg0, %dma_wait3A_51, %dma_wait3A_52] : memref<2x10112x128xf32, #tpu.memory_space<hbm>> -> memref<1x10112x128xf32, #tpu.memory_space<hbm>>
    %dma_wait3A_54 = tpu.memref_squeeze %dma_wait3A_53 : memref<1x10112x128xf32, #tpu.memory_space<hbm>> -> memref<10112x128xf32, #tpu.memory_space<hbm>>
    %dma_wait3A_55 = arith.constant 0 : i32
    %dma_wait3A_56 = arith.constant 0 : i32
    %dma_wait3A_57 = tpu.memref_slice %dma_wait3A_54[%dma_wait3A_55, %dma_wait3A_56] : memref<10112x128xf32, #tpu.memory_space<hbm>> -> memref<10112x128xf32, #tpu.memory_space<hbm>>
    tpu.wait_indirect_dma semaphore(%arg14 : memref<!tpu.dma_semaphore, #tpu.memory_space<semaphore_mem>>) src(%dma_wait3A_57 : memref<10112x128xf32, #tpu.memory_space<hbm>>) dst(%arg11 : memref<128x128xf32, #tpu.memory_space<vmem>>)
    %add3A_58 = arith.constant 9984 : i32
    %add3A_59 = arith.addi %mul3A_4, %add3A_58 : i32
    "tpu.region"() ({
      %run_scoped3A = tpu.sem_alloc : memref<!tpu.dma_semaphore, #tpu.memory_space<semaphore_mem>>
      %dma_start3A_61 = tpu.memref_slice %arg5[%add3A_59] : memref<323584xi32, #tpu.memory_space<hbm>> -> memref<128xi32, #tpu.memory_space<hbm>>
      %dma_start3A_62 = tpu.memref_slice %arg5[%add3A_59] : memref<323584xi32, #tpu.memory_space<hbm>> -> memref<128xi32, #tpu.memory_space<hbm>>
      tpu.enqueue_dma source(%dma_start3A_62 : memref<128xi32, #tpu.memory_space<hbm>>) target(%arg9 : memref<128xi32, #tpu.memory_space<vmem>>) target_semaphore(%run_scoped3A : memref<!tpu.dma_semaphore, #tpu.memory_space<semaphore_mem>>)
      %dma_wait3A_63 = tpu.memref_slice %arg5[%add3A_59] : memref<323584xi32, #tpu.memory_space<hbm>> -> memref<128xi32, #tpu.memory_space<hbm>>
      %dma_wait3A_64 = tpu.memref_slice %arg5[%add3A_59] : memref<323584xi32, #tpu.memory_space<hbm>> -> memref<128xi32, #tpu.memory_space<hbm>>
      tpu.wait_dma2 semaphore(%run_scoped3A : memref<!tpu.dma_semaphore, #tpu.memory_space<semaphore_mem>>) src(%dma_wait3A_64 : memref<128xi32, #tpu.memory_space<hbm>>) dst(%arg9 : memref<128xi32, #tpu.memory_space<vmem>>)
      tpu.yield
    }) : () -> ()
    "tpu.region"() ({
      %run_scoped3A = tpu.sem_alloc : memref<!tpu.dma_semaphore, #tpu.memory_space<semaphore_mem>>
      %dma_start3A_61 = arith.constant 0 : i32
      %dma_start3A_62 = arith.constant 0 : i32
      %dma_start3A_63 = tpu.memref_slice %arg13[%dma_start3A_61, %dma_start3A_62] : memref<10112x128xf32, #tpu.memory_space<vmem_shared>> -> memref<10112x128xf32, #tpu.memory_space<vmem_shared>>
      tpu.enqueue_indirect_dma source(%arg11 : memref<128x128xf32, #tpu.memory_space<vmem>>) target(%dma_start3A_63 : memref<10112x128xf32, #tpu.memory_space<vmem_shared>>) offsets(%arg9 : memref<128xi32, #tpu.memory_space<vmem>>) semaphore(%run_scoped3A : memref<!tpu.dma_semaphore, #tpu.memory_space<semaphore_mem>>) {add = true}
      %dma_wait3A_64 = arith.constant 0 : i32
      %dma_wait3A_65 = arith.constant 0 : i32
      %dma_wait3A_66 = tpu.memref_slice %arg13[%dma_wait3A_64, %dma_wait3A_65] : memref<10112x128xf32, #tpu.memory_space<vmem_shared>> -> memref<10112x128xf32, #tpu.memory_space<vmem_shared>>
      tpu.wait_indirect_dma semaphore(%run_scoped3A : memref<!tpu.dma_semaphore, #tpu.memory_space<semaphore_mem>>) src(%arg11 : memref<128x128xf32, #tpu.memory_space<vmem>>) dst(%dma_wait3A_66 : memref<10112x128xf32, #tpu.memory_space<vmem_shared>>)
      tpu.yield
    }) : () -> ()
    %barrier3A_60 = arith.constant 0 : index
    tpu.barrier barrier_id(%barrier3A_60)
    "tpu.region"() ({
      %run_scoped3A = tpu.sem_alloc : memref<!tpu.dma_semaphore, #tpu.memory_space<semaphore_mem>>
      %dma_start3A_61 = arith.constant 0 : i32
      %dma_start3A_62 = tpu.memref_slice %arg6[%arg0, %mul3A_0, %dma_start3A_61] : memref<2x10112x128xf32, #tpu.memory_space<hbm>> -> memref<1x632x128xf32, #tpu.memory_space<hbm>>
      %dma_start3A_63 = tpu.memref_squeeze %dma_start3A_62 : memref<1x632x128xf32, #tpu.memory_space<hbm>> -> memref<632x128xf32, #tpu.memory_space<hbm>>
      %dma_start3A_64 = arith.constant 0 : i32
      %dma_start3A_65 = tpu.memref_slice %arg13[%mul3A_0, %dma_start3A_64] : memref<10112x128xf32, #tpu.memory_space<vmem_shared>> -> memref<632x128xf32, #tpu.memory_space<vmem_shared>>
      tpu.enqueue_dma source(%dma_start3A_65 : memref<632x128xf32, #tpu.memory_space<vmem_shared>>) target(%dma_start3A_63 : memref<632x128xf32, #tpu.memory_space<hbm>>) target_semaphore(%run_scoped3A : memref<!tpu.dma_semaphore, #tpu.memory_space<semaphore_mem>>)
      %dma_wait3A_66 = arith.constant 0 : i32
      %dma_wait3A_67 = tpu.memref_slice %arg6[%arg0, %mul3A_0, %dma_wait3A_66] : memref<2x10112x128xf32, #tpu.memory_space<hbm>> -> memref<1x632x128xf32, #tpu.memory_space<hbm>>
      %dma_wait3A_68 = tpu.memref_squeeze %dma_wait3A_67 : memref<1x632x128xf32, #tpu.memory_space<hbm>> -> memref<632x128xf32, #tpu.memory_space<hbm>>
      %dma_wait3A_69 = arith.constant 0 : i32
      %dma_wait3A_70 = tpu.memref_slice %arg13[%mul3A_0, %dma_wait3A_69] : memref<10112x128xf32, #tpu.memory_space<vmem_shared>> -> memref<632x128xf32, #tpu.memory_space<vmem_shared>>
      tpu.wait_dma2 semaphore(%run_scoped3A : memref<!tpu.dma_semaphore, #tpu.memory_space<semaphore_mem>>) src(%dma_wait3A_70 : memref<632x128xf32, #tpu.memory_space<vmem_shared>>) dst(%dma_wait3A_68 : memref<632x128xf32, #tpu.memory_space<hbm>>)
      tpu.yield
    }) : () -> ()
    return
  }
}

module attributes {stable_mosaic.version = 14 : i64} {
  func.func @_layer_a_body(%arg0: i32, %arg1: memref<2x632x128xf32, #tpu.memory_space<vmem>>, %arg2: memref<632x128xf32, #tpu.memory_space<vmem>>, %arg3: memref<128x128xf32, #tpu.memory_space<vmem>>, %arg4: memref<2x632x128xf32, #tpu.memory_space<vmem>>) attributes {dimension_semantics = [#tpu.dimension_semantics<arbitrary>], iteration_bounds = array<i64: 16>, scalar_prefetch = 0 : i64, scratch_operands = 0 : i64, tpu.core_type = #tpu.core_type<tc>, window_params = [{transform_indices = @transform_0, window_bounds = array<i64: 2, 632, 128>}, {transform_indices = @transform_1, window_bounds = array<i64: 632, 128>}, {pipeline_mode = #tpu.pipeline_mode<synchronous>, transform_indices = @transform_2, window_bounds = array<i64: 128, 128>}, {transform_indices = @transform_3, window_bounds = array<i64: 2, 632, 128>}]} {
    %get3A = arith.constant 0 : index
    %get3A_0 = arith.constant 0 : index
    %get3A_1 = arith.constant 0 : index
    %get3A_2 = vector.load %arg1[%get3A, %get3A_0, %get3A_1] : memref<2x632x128xf32, #tpu.memory_space<vmem>>, vector<1x632x1xf32>
    %get3A_3 = vector.shape_cast %get3A_2 : vector<1x632x1xf32> to vector<632x1xf32>
    %get3A_4 = arith.constant 1 : index
    %get3A_5 = arith.constant 0 : index
    %get3A_6 = arith.constant 0 : index
    %get3A_7 = vector.load %arg1[%get3A_4, %get3A_5, %get3A_6] : memref<2x632x128xf32, #tpu.memory_space<vmem>>, vector<1x632x1xf32>
    %get3A_8 = vector.shape_cast %get3A_7 : vector<1x632x1xf32> to vector<632x1xf32>
    %add3A = arith.addf %get3A_3, %get3A_8 : vector<632x1xf32>
    %add3A_9 = arith.constant 1.000000e+00 : f32
    %add3A_10 = vector.broadcast %add3A_9 : f32 to vector<632x1xf32>
    %add3A_11 = arith.addf %add3A, %add3A_10 : vector<632x1xf32>
    %rsqrt3A = math.rsqrt %add3A_11 : vector<632x1xf32>
    %get3A_12 = arith.constant 0 : index
    %get3A_13 = arith.constant 0 : index
    %get3A_14 = vector.load %arg2[%get3A_12, %get3A_13] : memref<632x128xf32, #tpu.memory_space<vmem>>, vector<632x128xf32>
    %get3A_15 = arith.constant 0 : index
    %get3A_16 = arith.constant 0 : index
    %get3A_17 = vector.load %arg3[%get3A_15, %get3A_16] : memref<128x128xf32, #tpu.memory_space<vmem>>, vector<128x128xf32>
    %dot_general3A = arith.constant dense<0.000000e+00> : vector<632x128xf32>
    %dot_general3A_18 = tpu.matmul %get3A_14, %get3A_17, %dot_general3A {dimension_numbers = #tpu.dot_dimension_numbers<[1], [0], [0], [1], [0, 0, 1, 1], [], []>, transpose_lhs_hint = false} : vector<632x128xf32>, vector<128x128xf32>, vector<632x128xf32> -> vector<632x128xf32>
    %mul3A = vector.broadcast %rsqrt3A : vector<632x1xf32> to vector<632x128xf32>
    %mul3A_19 = arith.mulf %mul3A, %dot_general3A_18 : vector<632x128xf32>
    %broadcast_in_dim3A = vector.shape_cast %mul3A_19 : vector<632x128xf32> to vector<1x632x128xf32>
    %broadcast_in_dim3A_20 = vector.shape_cast %broadcast_in_dim3A : vector<1x632x128xf32> to vector<1x632x128xf32>
    %broadcast_in_dim3A_21 = vector.broadcast %broadcast_in_dim3A_20 : vector<1x632x128xf32> to vector<2x632x128xf32>
    %swap3A = arith.constant 0 : index
    %swap3A_22 = arith.constant 0 : index
    %swap3A_23 = arith.constant 0 : index
    %swap3A_24 = vector.load %arg4[%swap3A, %swap3A_22, %swap3A_23] : memref<2x632x128xf32, #tpu.memory_space<vmem>>, vector<2x632x128xf32>
    tpu.vector_store %arg4[%swap3A, %swap3A_22, %swap3A_23], %broadcast_in_dim3A_21 {strides = array<i32>} : memref<2x632x128xf32, #tpu.memory_space<vmem>>, vector<2x632x128xf32>,
    return
  }
  func.func @transform_0(%arg0: i32) -> (i32, i32, i32) {
    %c0_i32 = arith.constant 0 : i32
    %c0_i32_0 = arith.constant 0 : i32
    %c0_i32_1 = arith.constant 0 : i32
    return %c0_i32, %arg0, %c0_i32_0 : i32, i32, i32
  }
  func.func @transform_1(%arg0: i32) -> (i32, i32) {
    %c0_i32 = arith.constant 0 : i32
    %c0_i32_0 = arith.constant 0 : i32
    return %arg0, %c0_i32 : i32, i32
  }
  func.func @transform_2(%arg0: i32) -> (i32, i32) {
    %c0_i32 = arith.constant 0 : i32
    %c0_i32_0 = arith.constant 0 : i32
    %c0_i32_1 = arith.constant 0 : i32
    return %c0_i32, %c0_i32_0 : i32, i32
  }
  func.func @transform_3(%arg0: i32) -> (i32, i32, i32) {
    %c0_i32 = arith.constant 0 : i32
    %c0_i32_0 = arith.constant 0 : i32
    %c0_i32_1 = arith.constant 0 : i32
    return %c0_i32, %arg0, %c0_i32_0 : i32, i32, i32
  }
}

module attributes {stable_mosaic.version = 14 : i64} {
  func.func @_layer_b_body(%arg0: i32, %arg1: memref<2x632x128xf32, #tpu.memory_space<vmem>>, %arg2: memref<2x632x128xf32, #tpu.memory_space<vmem>>, %arg3: memref<1x632x128xf32, #tpu.memory_space<vmem>>, %arg4: memref<1x128xf32, #tpu.memory_space<vmem>>, %arg5: memref<128x128xf32, #tpu.memory_space<vmem>>, %arg6: memref<2x632x128xf32, #tpu.memory_space<vmem>>) attributes {dimension_semantics = [#tpu.dimension_semantics<arbitrary>], iteration_bounds = array<i64: 16>, scalar_prefetch = 0 : i64, scratch_operands = 0 : i64, tpu.core_type = #tpu.core_type<tc>, window_params = [{transform_indices = @transform_0, window_bounds = array<i64: 2, 632, 128>}, {transform_indices = @transform_1, window_bounds = array<i64: 2, 632, 128>}, {transform_indices = @transform_2, window_bounds = array<i64: 1, 632, 128>}, {pipeline_mode = #tpu.pipeline_mode<synchronous>, transform_indices = @transform_3, window_bounds = array<i64: 1, 128>}, {pipeline_mode = #tpu.pipeline_mode<synchronous>, transform_indices = @transform_4, window_bounds = array<i64: 128, 128>}, {transform_indices = @transform_5, window_bounds = array<i64: 2, 632, 128>}]} {
    %get3A = arith.constant 0 : index
    %get3A_0 = arith.constant 0 : index
    %get3A_1 = arith.constant 0 : index
    %get3A_2 = vector.load %arg1[%get3A, %get3A_0, %get3A_1] : memref<2x632x128xf32, #tpu.memory_space<vmem>>, vector<1x632x1xf32>
    %get3A_3 = vector.shape_cast %get3A_2 : vector<1x632x1xf32> to vector<632x1xf32>
    %get3A_4 = arith.constant 1 : index
    %get3A_5 = arith.constant 0 : index
    %get3A_6 = arith.constant 0 : index
    %get3A_7 = vector.load %arg1[%get3A_4, %get3A_5, %get3A_6] : memref<2x632x128xf32, #tpu.memory_space<vmem>>, vector<1x632x1xf32>
    %get3A_8 = vector.shape_cast %get3A_7 : vector<1x632x1xf32> to vector<632x1xf32>
    %add3A = arith.addf %get3A_3, %get3A_8 : vector<632x1xf32>
    %add3A_9 = arith.constant 1.000000e+00 : f32
    %add3A_10 = vector.broadcast %add3A_9 : f32 to vector<632x1xf32>
    %add3A_11 = arith.addf %add3A, %add3A_10 : vector<632x1xf32>
    %rsqrt3A = math.rsqrt %add3A_11 : vector<632x1xf32>
    %get3A_12 = arith.constant 0 : index
    %get3A_13 = arith.constant 0 : index
    %get3A_14 = arith.constant 0 : index
    %get3A_15 = vector.load %arg2[%get3A_12, %get3A_13, %get3A_14] : memref<2x632x128xf32, #tpu.memory_space<vmem>>, vector<1x632x128xf32>
    %get3A_16 = vector.shape_cast %get3A_15 : vector<1x632x128xf32> to vector<632x128xf32>
    %get3A_17 = arith.constant 1 : index
    %get3A_18 = arith.constant 0 : index
    %get3A_19 = arith.constant 0 : index
    %get3A_20 = vector.load %arg2[%get3A_17, %get3A_18, %get3A_19] : memref<2x632x128xf32, #tpu.memory_space<vmem>>, vector<1x632x128xf32>
    %get3A_21 = vector.shape_cast %get3A_20 : vector<1x632x128xf32> to vector<632x128xf32>
    %add3A_22 = arith.addf %get3A_16, %get3A_21 : vector<632x128xf32>
    %get3A_23 = arith.constant 0 : index
    %get3A_24 = arith.constant 0 : index
    %get3A_25 = arith.constant 0 : index
    %get3A_26 = vector.load %arg3[%get3A_23, %get3A_24, %get3A_25] : memref<1x632x128xf32, #tpu.memory_space<vmem>>, vector<1x632x128xf32>
    %get3A_27 = vector.shape_cast %get3A_26 : vector<1x632x128xf32> to vector<632x128xf32>
    %add3A_28 = arith.addf %add3A_22, %get3A_27 : vector<632x128xf32>
    %mul3A = vector.broadcast %rsqrt3A : vector<632x1xf32> to vector<632x128xf32>
    %mul3A_29 = arith.mulf %mul3A, %add3A_28 : vector<632x128xf32>
    %get3A_30 = arith.constant 0 : index
    %get3A_31 = arith.constant 0 : index
    %get3A_32 = vector.load %arg4[%get3A_30, %get3A_31] : memref<1x128xf32, #tpu.memory_space<vmem>>, vector<1x128xf32>
    %add3A_33 = vector.broadcast %get3A_32 : vector<1x128xf32> to vector<632x128xf32>
    %add3A_34 = arith.addf %mul3A_29, %add3A_33 : vector<632x128xf32>
    %max3A = arith.constant 0.000000e+00 : f32
    %max3A_35 = vector.broadcast %max3A : f32 to vector<632x128xf32>
    %max3A_36 = arith.maximumf %add3A_34, %max3A_35 : vector<632x128xf32>
    %get3A_37 = arith.constant 0 : index
    %get3A_38 = arith.constant 0 : index
    %get3A_39 = vector.load %arg5[%get3A_37, %get3A_38] : memref<128x128xf32, #tpu.memory_space<vmem>>, vector<128x128xf32>
    %dot_general3A = arith.constant dense<0.000000e+00> : vector<632x128xf32>
    %dot_general3A_40 = tpu.matmul %max3A_36, %get3A_39, %dot_general3A {dimension_numbers = #tpu.dot_dimension_numbers<[1], [0], [0], [1], [0, 0, 1, 1], [], []>, transpose_lhs_hint = false} : vector<632x128xf32>, vector<128x128xf32>, vector<632x128xf32> -> vector<632x128xf32>
    %mul3A_41 = vector.broadcast %rsqrt3A : vector<632x1xf32> to vector<632x128xf32>
    %mul3A_42 = arith.mulf %mul3A_41, %dot_general3A_40 : vector<632x128xf32>
    %broadcast_in_dim3A = vector.shape_cast %mul3A_42 : vector<632x128xf32> to vector<1x632x128xf32>
    %broadcast_in_dim3A_43 = vector.shape_cast %broadcast_in_dim3A : vector<1x632x128xf32> to vector<1x632x128xf32>
    %broadcast_in_dim3A_44 = vector.broadcast %broadcast_in_dim3A_43 : vector<1x632x128xf32> to vector<2x632x128xf32>
    %swap3A = arith.constant 0 : index
    %swap3A_45 = arith.constant 0 : index
    %swap3A_46 = arith.constant 0 : index
    %swap3A_47 = vector.load %arg6[%swap3A, %swap3A_45, %swap3A_46] : memref<2x632x128xf32, #tpu.memory_space<vmem>>, vector<2x632x128xf32>
    tpu.vector_store %arg6[%swap3A, %swap3A_45, %swap3A_46], %broadcast_in_dim3A_44 {strides = array<i32>} : memref<2x632x128xf32, #tpu.memory_space<vmem>>, vector<2x632x128xf32>,
    return
  }
  func.func @transform_0(%arg0: i32) -> (i32, i32, i32) {
    %c0_i32 = arith.constant 0 : i32
    %c0_i32_0 = arith.constant 0 : i32
    %c0_i32_1 = arith.constant 0 : i32
    return %c0_i32, %arg0, %c0_i32_0 : i32, i32, i32
  }
  func.func @transform_1(%arg0: i32) -> (i32, i32, i32) {
    %c0_i32 = arith.constant 0 : i32
    %c0_i32_0 = arith.constant 0 : i32
    %c0_i32_1 = arith.constant 0 : i32
    return %c0_i32, %arg0, %c0_i32_0 : i32, i32, i32
  }
  func.func @transform_2(%arg0: i32) -> (i32, i32, i32) {
    %c0_i32 = arith.constant 0 : i32
    %c0_i32_0 = arith.constant 0 : i32
    %c0_i32_1 = arith.constant 0 : i32
    return %c0_i32, %arg0, %c0_i32_0 : i32, i32, i32
  }
  func.func @transform_3(%arg0: i32) -> (i32, i32) {
    %c0_i32 = arith.constant 0 : i32
    %c0_i32_0 = arith.constant 0 : i32
    %c0_i32_1 = arith.constant 0 : i32
    return %c0_i32, %c0_i32_0 : i32, i32
  }
  func.func @transform_4(%arg0: i32) -> (i32, i32) {
    %c0_i32 = arith.constant 0 : i32
    %c0_i32_0 = arith.constant 0 : i32
    %c0_i32_1 = arith.constant 0 : i32
    return %c0_i32, %c0_i32_0 : i32, i32
  }
  func.func @transform_5(%arg0: i32) -> (i32, i32, i32) {
    %c0_i32 = arith.constant 0 : i32
    %c0_i32_0 = arith.constant 0 : i32
    %c0_i32_1 = arith.constant 0 : i32
    return %c0_i32, %arg0, %c0_i32_0 : i32, i32, i32
  }
}

module attributes {stable_mosaic.version = 14 : i64} {
  func.func @_layer_c_body(%arg0: i32, %arg1: memref<2x632x128xf32, #tpu.memory_space<vmem>>, %arg2: memref<2x632x128xf32, #tpu.memory_space<vmem>>, %arg3: memref<1x632x128xf32, #tpu.memory_space<vmem>>, %arg4: memref<1x128xf32, #tpu.memory_space<vmem>>, %arg5: memref<128x64xf32, #tpu.memory_space<vmem>>, %arg6: memref<1x64xf32, #tpu.memory_space<vmem>>, %arg7: memref<632x64xf32, #tpu.memory_space<vmem>>) attributes {dimension_semantics = [#tpu.dimension_semantics<arbitrary>], iteration_bounds = array<i64: 16>, scalar_prefetch = 0 : i64, scratch_operands = 0 : i64, tpu.core_type = #tpu.core_type<tc>, window_params = [{transform_indices = @transform_0, window_bounds = array<i64: 2, 632, 128>}, {transform_indices = @transform_1, window_bounds = array<i64: 2, 632, 128>}, {transform_indices = @transform_2, window_bounds = array<i64: 1, 632, 128>}, {pipeline_mode = #tpu.pipeline_mode<synchronous>, transform_indices = @transform_3, window_bounds = array<i64: 1, 128>}, {pipeline_mode = #tpu.pipeline_mode<synchronous>, transform_indices = @transform_4, window_bounds = array<i64: 128, 64>}, {pipeline_mode = #tpu.pipeline_mode<synchronous>, transform_indices = @transform_5, window_bounds = array<i64: 1, 64>}, {transform_indices = @transform_6, window_bounds = array<i64: 632, 64>}]} {
    %get3A = arith.constant 0 : index
    %get3A_0 = arith.constant 0 : index
    %get3A_1 = arith.constant 0 : index
    %get3A_2 = vector.load %arg1[%get3A, %get3A_0, %get3A_1] : memref<2x632x128xf32, #tpu.memory_space<vmem>>, vector<1x632x1xf32>
    %get3A_3 = vector.shape_cast %get3A_2 : vector<1x632x1xf32> to vector<632x1xf32>
    %get3A_4 = arith.constant 1 : index
    %get3A_5 = arith.constant 0 : index
    %get3A_6 = arith.constant 0 : index
    %get3A_7 = vector.load %arg1[%get3A_4, %get3A_5, %get3A_6] : memref<2x632x128xf32, #tpu.memory_space<vmem>>, vector<1x632x1xf32>
    %get3A_8 = vector.shape_cast %get3A_7 : vector<1x632x1xf32> to vector<632x1xf32>
    %add3A = arith.addf %get3A_3, %get3A_8 : vector<632x1xf32>
    %add3A_9 = arith.constant 1.000000e+00 : f32
    %add3A_10 = vector.broadcast %add3A_9 : f32 to vector<632x1xf32>
    %add3A_11 = arith.addf %add3A, %add3A_10 : vector<632x1xf32>
    %rsqrt3A = math.rsqrt %add3A_11 : vector<632x1xf32>
    %get3A_12 = arith.constant 0 : index
    %get3A_13 = arith.constant 0 : index
    %get3A_14 = arith.constant 0 : index
    %get3A_15 = vector.load %arg2[%get3A_12, %get3A_13, %get3A_14] : memref<2x632x128xf32, #tpu.memory_space<vmem>>, vector<1x632x128xf32>
    %get3A_16 = vector.shape_cast %get3A_15 : vector<1x632x128xf32> to vector<632x128xf32>
    %get3A_17 = arith.constant 1 : index
    %get3A_18 = arith.constant 0 : index
    %get3A_19 = arith.constant 0 : index
    %get3A_20 = vector.load %arg2[%get3A_17, %get3A_18, %get3A_19] : memref<2x632x128xf32, #tpu.memory_space<vmem>>, vector<1x632x128xf32>
    %get3A_21 = vector.shape_cast %get3A_20 : vector<1x632x128xf32> to vector<632x128xf32>
    %add3A_22 = arith.addf %get3A_16, %get3A_21 : vector<632x128xf32>
    %get3A_23 = arith.constant 0 : index
    %get3A_24 = arith.constant 0 : index
    %get3A_25 = arith.constant 0 : index
    %get3A_26 = vector.load %arg3[%get3A_23, %get3A_24, %get3A_25] : memref<1x632x128xf32, #tpu.memory_space<vmem>>, vector<1x632x128xf32>
    %get3A_27 = vector.shape_cast %get3A_26 : vector<1x632x128xf32> to vector<632x128xf32>
    %add3A_28 = arith.addf %add3A_22, %get3A_27 : vector<632x128xf32>
    %mul3A = vector.broadcast %rsqrt3A : vector<632x1xf32> to vector<632x128xf32>
    %mul3A_29 = arith.mulf %mul3A, %add3A_28 : vector<632x128xf32>
    %get3A_30 = arith.constant 0 : index
    %get3A_31 = arith.constant 0 : index
    %get3A_32 = vector.load %arg4[%get3A_30, %get3A_31] : memref<1x128xf32, #tpu.memory_space<vmem>>, vector<1x128xf32>
    %add3A_33 = vector.broadcast %get3A_32 : vector<1x128xf32> to vector<632x128xf32>
    %add3A_34 = arith.addf %mul3A_29, %add3A_33 : vector<632x128xf32>
    %max3A = arith.constant 0.000000e+00 : f32
    %max3A_35 = vector.broadcast %max3A : f32 to vector<632x128xf32>
    %max3A_36 = arith.maximumf %add3A_34, %max3A_35 : vector<632x128xf32>
    %get3A_37 = arith.constant 0 : index
    %get3A_38 = arith.constant 0 : index
    %get3A_39 = vector.load %arg5[%get3A_37, %get3A_38] : memref<128x64xf32, #tpu.memory_space<vmem>>, vector<128x64xf32>
    %dot_general3A = arith.constant dense<0.000000e+00> : vector<632x64xf32>
    %dot_general3A_40 = tpu.matmul %max3A_36, %get3A_39, %dot_general3A {dimension_numbers = #tpu.dot_dimension_numbers<[1], [0], [0], [1], [0, 0, 1, 1], [], []>, transpose_lhs_hint = false} : vector<632x128xf32>, vector<128x64xf32>, vector<632x64xf32> -> vector<632x64xf32>
    %get3A_41 = arith.constant 0 : index
    %get3A_42 = arith.constant 0 : index
    %get3A_43 = vector.load %arg6[%get3A_41, %get3A_42] : memref<1x64xf32, #tpu.memory_space<vmem>>, vector<1x64xf32>
    %add3A_44 = vector.broadcast %get3A_43 : vector<1x64xf32> to vector<632x64xf32>
    %add3A_45 = arith.addf %dot_general3A_40, %add3A_44 : vector<632x64xf32>
    %reduce_max3A = arith.constant dense<0xFF800000> : vector<632xf32>
    %reduce_max3A_46 = vector.multi_reduction <maximumf>, %add3A_45, %reduce_max3A [1] : vector<632x64xf32> to vector<632xf32>
    %broadcast_in_dim3A = vector.shape_cast %reduce_max3A_46 : vector<632xf32> to vector<632x1xf32>
    %sub3A = vector.broadcast %broadcast_in_dim3A : vector<632x1xf32> to vector<632x64xf32>
    %sub3A_47 = arith.subf %add3A_45, %sub3A : vector<632x64xf32>
    %exp3A = math.exp %sub3A_47 : vector<632x64xf32>
    %reduce_sum3A = arith.constant dense<0.000000e+00> : vector<632xf32>
    %reduce_sum3A_48 = vector.multi_reduction <add>, %exp3A, %reduce_sum3A [1] : vector<632x64xf32> to vector<632xf32>
    %broadcast_in_dim3A_49 = vector.shape_cast %reduce_sum3A_48 : vector<632xf32> to vector<632x1xf32>
    %log3A = math.log %broadcast_in_dim3A_49 : vector<632x1xf32>
    %add3A_50 = arith.addf %broadcast_in_dim3A, %log3A : vector<632x1xf32>
    %sub3A_51 = vector.broadcast %add3A_50 : vector<632x1xf32> to vector<632x64xf32>
    %sub3A_52 = arith.subf %add3A_45, %sub3A_51 : vector<632x64xf32>
    %swap3A = arith.constant 0 : index
    %swap3A_53 = arith.constant 0 : index
    %swap3A_54 = vector.load %arg7[%swap3A, %swap3A_53] : memref<632x64xf32, #tpu.memory_space<vmem>>, vector<632x64xf32>
    tpu.vector_store %arg7[%swap3A, %swap3A_53], %sub3A_52 {strides = array<i32>} : memref<632x64xf32, #tpu.memory_space<vmem>>, vector<632x64xf32>,
    return
  }
  func.func @transform_0(%arg0: i32) -> (i32, i32, i32) {
    %c0_i32 = arith.constant 0 : i32
    %c0_i32_0 = arith.constant 0 : i32
    %c0_i32_1 = arith.constant 0 : i32
    return %c0_i32, %arg0, %c0_i32_0 : i32, i32, i32
  }
  func.func @transform_1(%arg0: i32) -> (i32, i32, i32) {
    %c0_i32 = arith.constant 0 : i32
    %c0_i32_0 = arith.constant 0 : i32
    %c0_i32_1 = arith.constant 0 : i32
    return %c0_i32, %arg0, %c0_i32_0 : i32, i32, i32
  }
  func.func @transform_2(%arg0: i32) -> (i32, i32, i32) {
    %c0_i32 = arith.constant 0 : i32
    %c0_i32_0 = arith.constant 0 : i32
    %c0_i32_1 = arith.constant 0 : i32
    return %c0_i32, %arg0, %c0_i32_0 : i32, i32, i32
  }
  func.func @transform_3(%arg0: i32) -> (i32, i32) {
    %c0_i32 = arith.constant 0 : i32
    %c0_i32_0 = arith.constant 0 : i32
    %c0_i32_1 = arith.constant 0 : i32
    return %c0_i32, %c0_i32_0 : i32, i32
  }
  func.func @transform_4(%arg0: i32) -> (i32, i32) {
    %c0_i32 = arith.constant 0 : i32
    %c0_i32_0 = arith.constant 0 : i32
    %c0_i32_1 = arith.constant 0 : i32
    return %c0_i32, %c0_i32_0 : i32, i32
  }
  func.func @transform_5(%arg0: i32) -> (i32, i32) {
    %c0_i32 = arith.constant 0 : i32
    %c0_i32_0 = arith.constant 0 : i32
    %c0_i32_1 = arith.constant 0 : i32
    return %c0_i32, %c0_i32_0 : i32, i32
  }
  func.func @transform_6(%arg0: i32) -> (i32, i32) {
    %c0_i32 = arith.constant 0 : i32
    %c0_i32_0 = arith.constant 0 : i32
    return %arg0, %c0_i32 : i32, i32
  }
}

</mosaic_0001>

<sc_bundles>
// kernel: kernel.11.cloned.1.call-start
scs
__scs_entry_jumppad:
0x0: {  	(pc) =	sbr.rel $0x88, $3  }
0x1: {  	(tag) =	ssettag $0x0;
	lr =	simm.s32 $0x1  }
0x2: {  	[smem:$0x3F99] =	sst lr;
	_ =	strace $0xD0000000  }
0x3: {  	_ = 	snop  }
0x4: {  	_ = 	snop  }
0x5: {  	_ = 	snop  }
0x6: {  	_ = 	snop  }
0x7: {  	_ = 	snop  }
__scs_overlays_trampoline_lowered:
0x8: {  	[smem:$0x3FA8] =	sst s0  }
0x9: {  	[smem:$0x3FA9] =	sst s1  }
0xa: {  	[smem:$0x3FAA] =	sst s2  }
0xb: {  	[smem:$0x3FAB] =	sst s3  }
0xc: {  	[smem:$0x3FAC] =	sst s4  }
0xd: {  	[smem:$0x3FAD] =	sst s5  }
0xe: {  	[smem:$0x3FAE] =	sst s6  }
0xf: {  	[smem:$0x3FAF] =	sst s7  }
0x10: {  	[smem:$0x3FB0] =	sst s8  }
0x11: {  	[smem:$0x3FB1] =	sst s9;
	s0 =	simm.s32 @!p0 $0x0  }
0x12: {  	s1 =	sld [smem:$0x3F97];
	s0 =	simm.s32 @p0 $0x1  }
0x13: {  	[smem:$0x3FB2] =	sst s0;
	s0 =	simm.s32 @!p1 $0x0  }
0x14: {  	s2 =	sld [smem:$0x3F96];
	s0 =	simm.s32 @p1 $0x1  }
0x15: {  	[smem:$0x3FB3] =	sst s0;
	s0 =	simm.s32 @!p2 $0x0  }
0x16: {  	s3 =	sld [smem:$0x3FDB];
	s0 =	simm.s32 @p2 $0x1  }
0x17: {  	s4 =	simm.s32 $0x1BF5;
	[smem:$0x3FB5] =	sst s0  }
0x18: {  	s0 =	sld [smem:$0x3F98];
	_ =	swait.ge [sflag:s4], $0x0  }
0x19: {  	s7 =	sld [smem:$0x3F99]  }
0x1a: {  	s8 =	sadd.s32 $0xFFFFE003, lr  }
0x1b: {  	s9 =	sadd.s32 $0xFFFFFEF7, lr;
	s5 =	simm.s32 $0xFFFFFFFF;
	p2 =	slt.u32 s8, $0xFFFFF086  }
0x1c: {  	p1 =	slt.u32 s9, $0xF7A;
	s5 =	simm.s32 @!p2 $0x0  }
0x1d: {  	s5 =	simm.s32 @p1 $0x1;
	p0 =	seq.s32 s7, s2  }
0x1e: {  	s7 =	smul.u32 @!p0 $0xF7A, s2;
	p2 =	seq.s32 @!p0 s5, $0x0  }
0x1f: {  	s9 =	smul.u32 $0xF7A, s1;
	s8 =	simm.s32 @!p0 $0x1BF5;
	p2 =	por !p2, p0  }
0x20: {  	[sflag:s8] =	ssyncset.s32 @!p0 $0xFFFFF086;
	s6 =	sadd.s32 @!p0 s3, s7;
	s7 =	simm.s32 @!p0 $0x108  }
0x21: {  	s3 =	sadd.s32 s3, s9;
	s6 =	sadd.s32 @!p0 $0x88, s6;
	s7 =	simm.s32 @p2 $0x1082  }
0x22: {  	[simem:s7], [sflag:s8] =	dma.local @!p0 [hbm:s6], $0xF7A  }
0x23: {  	s9 =	sor.u32 $0xD0000000, s2;
	s6 =	simm.s32 $0x108;
	_ =	swait.ge @!p0 [sflag:s8], $0x0  }
0x24: {  	s3 =	sadd.s32 $0x88, s3;
	s6 =	simm.s32 @!p1 $0x1082;
	[sflag:s4] =	ssyncset.s32 $0xFFFFF086  }
0x25: {  	[simem:s6], [sflag:s4] =	dma.local [hbm:s3], $0xF7A  }
0x26: {  	[smem:$0x3F99] =	sst s1;
	(tag) =	ssettag s2;
	_ =	strace s9  }
0x27: {  	s1 =	sld [smem:$0x3FA9]  }
0x28: {  	s2 =	sld [smem:$0x3FAA]  }
0x29: {  	s4 =	sld [smem:$0x3FAC]  }
0x2a: {  	p0 =	seq.s32 s5, $0x0;
	s5 =	sld [smem:$0x3FAD]  }
0x2b: {  	s6 =	sld [smem:$0x3FAE]  }
0x2c: {  	s7 =	sld [smem:$0x3FAF]  }
0x2d: {  	s3 =	simm.s32 $0x108;
	s8 =	sld [smem:$0x3FB0]  }
0x2e: {  	s3 =	simm.s32 @!p0 $0x1082;
	s9 =	sld [smem:$0x3FB1]  }
0x2f: {  	lr =	sadd.s32 s0, s3;
	s0 =	sld [smem:$0x3FA8]  }
0x30: {  	s3 =	sld [smem:$0x3FAB]  }
0x31: {  	[smem:$0x3FB4] =	sst s10  }
0x32: {  	s10 =	sld [smem:$0x3FB2];
	_ =	sdelay $0x3  }
0x33: {  	p0 =	seq.s32 s10, $0x1;
	s10 =	sld [smem:$0x3FB4];
	_ =	sdelay $0x3  }
0x34: {  	[smem:$0x3FB4] =	sst s10  }
0x35: {  	s10 =	sld [smem:$0x3FB3];
	_ =	sdelay $0x3  }
0x36: {  	p1 =	seq.s32 s10, $0x1;
	s10 =	sld [smem:$0x3FB4];
	_ =	sdelay $0x3  }
0x37: {  	[smem:$0x3FB4] =	sst s10  }
0x38: {  	s10 =	sld [smem:$0x3FB5]  }
0x39: {  	_ = 	snop;
	(pc) =	sbr.ind lr, $3  }
0x3a: {  	_ = 	snop  }
0x3b: {  	_ = 	snop  }
0x3c: {  	p2 =	seq.s32 s10, $0x1;
	s10 =	sld [smem:$0x3FB4]  }
0x3d: {  	_ =	shalt  }
0x3e: {  	_ =	shalt  }
0x3f: {  	_ =	shalt  }
0x40: {  	_ =	shalt  }
0x41: {  	_ =	shalt  }
0x42: {  	_ =	shalt  }
0x43: {  	_ =	shalt  }
0x44: {  	_ =	shalt  }
0x45: {  	_ =	shalt  }
0x46: {  	_ =	shalt  }
0x47: {  	_ =	shalt  }
0x48: {  	_ =	shalt  }
0x49: {  	_ =	shalt  }
0x4a: {  	_ =	shalt  }
0x4b: {  	_ =	shalt  }
0x4c: {  	_ =	shalt  }
0x4d: {  	_ =	shalt  }
0x4e: {  	_ =	shalt  }
0x4f: {  	_ =	shalt  }
0x50: {  	_ =	shalt  }
0x51: {  	_ =	shalt  }
0x52: {  	_ =	shalt  }
0x53: {  	_ =	shalt  }
0x54: {  	_ =	shalt  }
0x55: {  	_ =	shalt  }
0x56: {  	_ =	shalt  }
0x57: {  	_ =	shalt  }
0x58: {  	_ =	shalt  }
0x59: {  	_ =	shalt  }
0x5a: {  	_ =	shalt  }
0x5b: {  	_ =	shalt  }
0x5c: {  	_ =	shalt  }
0x5d: {  	_ =	shalt  }
0x5e: {  	_ =	shalt  }
0x5f: {  	_ =	shalt  }
0x60: {  	_ =	shalt  }
0x61: {  	_ =	shalt  }
0x62: {  	_ =	shalt  }
0x63: {  	_ =	shalt  }
0x64: {  	_ =	shalt  }
0x65: {  	_ =	shalt  }
0x66: {  	_ =	shalt  }
0x67: {  	_ =	shalt  }
0x68: {  	_ =	shalt  }
0x69: {  	_ =	shalt  }
0x6a: {  	_ =	shalt  }
0x6b: {  	_ =	shalt  }
0x6c: {  	_ =	shalt  }
0x6d: {  	_ =	shalt  }
0x6e: {  	_ =	shalt  }
0x6f: {  	_ =	shalt  }
0x70: {  	_ =	shalt  }
0x71: {  	_ =	shalt  }
0x72: {  	_ =	shalt  }
0x73: {  	_ =	shalt  }
0x74: {  	_ =	shalt  }
0x75: {  	_ =	shalt  }
0x76: {  	_ =	shalt  }
0x77: {  	_ =	shalt  }
0x78: {  	_ =	shalt  }
0x79: {  	_ =	shalt  }
0x7a: {  	_ =	shalt  }
0x7b: {  	_ =	shalt  }
0x7c: {  	_ =	shalt  }
0x7d: {  	_ =	shalt  }
0x7e: {  	_ =	shalt  }
0x7f: {  	_ =	shalt  }
0x80: {  	_ =	shalt  }
0x81: {  	_ =	shalt  }
0x82: {  	_ =	shalt  }
0x83: {  	_ =	shalt  }
0x84: {  	_ =	shalt  }
0x85: {  	_ =	shalt  }
0x86: {  	_ =	shalt  }
0x87: {  	_ =	shalt  }
.Lfunc_end0:
.L_simem_size_0:
called_computation.1_lowered:
.L_overlay_start_0:
0x88: {  	s2 =	sld [smem:$0x3FD9]  }
0x89: {  	s3 =	sld [smem:$0x3FFE];
	_ =	sdelay $0x1  }
0x8a: {  	s1 =	srdreg.scid  }
0x8b: {  	s0 =	sand.u32 $0x1, s1  }
0x8c: {  	s17 =	sshll.u32 s0, $0xA;
	s2 =	sadd.s32 s3, s2  }
0x8d: {  	s2 =	sadd.s32 s2, s17  }
0x8e: {  	[smem:$0x3FC0] =	sst s2  }
0x8f: {  	_ = 	snop  }
0x90: {  	s2 =	sld [smem:$0x3FD0];
	(tm) =	ssettm $0x1  }
0x91: {  	s18 =	sld [smem:$0x3FFB];
	_ =	sdelay $0x3  }
0x92: {  	_ =	strace s18  }
0x93: {  	s3 =	sld [smem:$0x3FFC];
	_ =	sdelay $0x3  }
0x94: {  	_ =	strace s3  }
0x95: {  	s3 =	sld [smem:$0x3FFD];
	_ =	sdelay $0x3  }
0x96: {  	_ =	strace s3  }
0x97: {  	_ =	strace $0x8FFFFFFF  }
0x98: {  	s19 =	sld [smem:$0x3FDB];
	_ =	sdelay $0x1  }
0x99: {  	s4 =	simm.s32 $_scs_section_size  }
0x9a: {  	s5 =	simm.s32 $_size__tile_overlayer_lowered;
	s6 =	simm.s32 $_tile_overlayer_lowered  }
0x9b: {  	s22 =	simm.s32 $0x1BFF;
	s21 =	sshll.u32 s6, $0x1;
	s3 =	sadd.s32 s4, s19  }
0x9c: {  	s7 =	simm.s32 $0x0;
	s20 =	sshll.u32 s5, $0x1;
	s5 =	sadd.s32 s21, s3  }
0x9d: {  	[timem:s7], [sflag:s22] =	dma.local [hbm:s5], s20  }
0x9e: {  	_ =	swait.ge [sflag:s22], s20  }
0x9f: {  	s4 =	ssub.s32 $0x0, s20;
	[sflag:s22] =	ssyncset.done $0x0  }
0xa0: {  	[sflag:s22] =	ssyncadd.s32 s4;
	_ =	sdelay $0x1  }
0xa1: {  	s23 =	simm.s32 $0x1B8B  }
0xa2: {  	_ =	swait.ge [sflag:s23], $0x1  }
0xa3: {  	[sflag:s23] =	ssyncset.done $0x0  }
0xa4: {  	s25 =	simm.s32 $0x1B8E;
	s24 =	sld [smem:$0x3FFE];
	[sflag:s23] =	ssyncadd.s32 $0xFFFFFFFF  }
0xa5: {  	s26 =	simm.s32 $execute0_lowered;
	[smem:$0x3FD2] =	sst s25  }
0xa6: {  	s5 =	sshll.u32 s26, $0x1;
	_ =	strace $0x80000049;
	[dreg:$0x1] =	wrdreg $0xFFFFFFFF  }
0xa7: {  	s28 =	simm.s32 $_size_execute0_lowered;
	s3 =	sadd.s32 s3, s5;
	[dreg:$0x0] =	wrdreg $0x0  }
0xa8: {  	s5 =	sshll.u32 s28, $0x1;
	[dreg:$0x2] =	wrdreg s3  }
0xa9: {  	[dreg:$0x3] =	wrdreg s5  }
0xaa: {  	[dreg:$0x4] =	wrdreg $0xC0  }
0xab: {  	_ =	task [dreg:s7], $0x5FFFF  }
0xac: {  	[dreg:$0x1] =	wrdreg $0xFFFFFFFF  }
0xad: {  	[dreg:$0x0] =	wrdreg $0x60  }
0xae: {  	[dreg:$0x2] =	wrdreg s24  }
0xaf: {  	[dreg:$0x3] =	wrdreg s2  }
0xb0: {  	[dreg:$0x4] =	wrdreg $0x82000  }
0xb1: {  	[dreg:$0x5] =	wrdreg $0x9  }
0xb2: {  	_ =	task.clear_ibuf [dreg:s7], $0x6FFFF;
	_ =	strace $0x90000049  }
0xb3: {  	s29 =	simm.s32 $0x9;
	_ =	strace $0x8000004B  }
0xb4: {  	_ =	swait.ge [sflag:s29], $0x1  }
0xb5: {  	[sflag:s29] =	ssyncadd.s32 $0xFFFFFFFF  }
0xb6: {  	_ =	strace $0x9000004B  }
0xb7: {  	_ =	sfence  }
0xb8: {  	s30 =	sld [smem:$0x0];
	_ =	sdelay $0x2  }
0xb9: {  	s31 =	sshll.u32 s1, $0xD;
	s1 =	sshrl.u32 s1, $0x2  }
0xba: {  	s3 =	sand.u32 $0x4000, s31;
	s1 =	sadd.s32 s1, s30  }
0xbb: {  	s0 =	sor.u32 s3, s0;
	s1 =	sshll.u32 s1, $0x11  }
0xbc: {  	s0 =	sor.u32 s1, s0  }
0xbd: {  	s0 =	sadd.s32 $0x8F2B, s0  }
0xbe: {  	[sflag:s0] =	ssyncadd.remote.s32 $0x1  }
0xbf: {  	_ =	sfence.sel $0xFFFF  }
0xc0: {  	[dreg:$0x0] =	wrdreg $0xFFFFFFFF;
	(pc) =	sbr.abs _section_cstart, $3  }
0xc1: {  	[dreg:$0x1] =	wrdreg $0xFFFFFFFF  }
0xc2: {  	_ =	task.clear_ibuf [dreg:s7], $0x2FFFF;
	_ =	strace $0x9FFFFFFF  }
0xc3: {  	(tm) =	ssettm $0x7FFFFFFF  }
tec
execute0_lowered:
.L_overlay_start_1:
0x0: {  	(tag) =	ssettag $0x1  }
0x1: {  	s0 =	rddreg [dreg:$0x0]  }
0x2: {  	s1 =	rddreg [dreg:$0x1];
	s3 =	srdreg.scid  }
0x3: {  	s2 =	rddreg [dreg:$0x2];
	s13 =	stileid.u32;
	s28 =	simm.s32 $0x2  }
0x4: {  	s29 =	simm.s32 $0x180;
	s30 =	simm.s32 $0x0;
	s5 =	smul.u32 $0x13C00, s13  }
0x5: {  	s10 =	sand.u32 $0x1, s3;
	s3 =	simm.s32 $0x0;
	s11 =	smul.u32 $0x4F000, s13  }
0x6: {  	s8 =	sshll.u32 s13, $0x1;
	s23 =	sshll.u32 s13, $0x6;
	s14 =	smul.u32 $0x4F00, s13  }
0x7: {  	s4 =	smul.u32 $0x13C000, s10;
	[smem:$0x7FF] =	sst s3;
	s18 =	ssub.s32 $0x2, s10  }
0x8: {  	s8 =	sor.u32 s10, s8;
	s15 =	smul.u32 $0x2780, s10;
	_ =	strace $0x8000004A  }
0x9: {  	s19 =	sshrl.u32 s18, $0x1;
	s8 =	smul.u32 $0x2780, s8;
	s11 =	sshrl.u32 s11, $0x2  }
0xa: {  	s12 =	sshrl.u32 s5, $0x3;
	s6 =	sshrl.u32 s4, $0x3;
	s7 =	sadd.s32 s5, s4  }
0xb: {  	s4 =	sadd.s32 $0xA0A00, s0;
	s16 =	ssub.s32 s18, s19;
	s20 =	sadd.s32 s11, s2  }
0xc: {  	s19 =	sadd.s32 s15, s14;
	s9 =	sadd.s32 s6, s0;
	s17 =	sshrl.u32 s7, $0x3  }
0xd: {  	[dreg:$0x4] =	wrdreg s20;
	s24 =	sshrl.u32 s8, $0x3;
	s7 =	sor.u32 $0x1C03, s23  }
0xe: {  	s26 =	sadd.s32 $0x180, s19;
	s16 =	smax.u32 s16, $0x1;
	s18 =	sadd.s32 $0x80, s19  }
0xf: {  	s20 =	sshrl.u32 s19, $0x3;
	s19 =	sadd.s32 $0x100, s19;
	s23 =	simm.s32 $0x200  }
0x10: {  	s0 =	sadd.s32 s17, s0;
	s21 =	sadd.s32 s12, s9;
	s8 =	sadd.s32 s4, s24  }
0x11: {  	s9 =	sadd.s32 $0xAA800, s9;
	s25 =	sadd.s32 s1, s24;
	s17 =	sadd.s32 $0x4E0, s24  }
0x12: {  	s31 =	sshrl.u32 s18, $0x3;
	s20 =	sadd.s32 s20, s1;
	s24 =	simm.s32 $0x4200  }
0x13: {  	s22 =	sadd.s32 $0x2A00, s21;
	s10 =	sadd.s32 $0x10, s8;
	s11 =	sadd.s32 $0x4C0, s25  }
0x14: {  	s12 =	sadd.s32 s4, s17;
	s13 =	sadd.s32 $0x4D0, s25;
	s14 =	sadd.s32 s1, s17  }
0x15: {  	s15 =	sadd.s32 $0xF9800, s0;
	s0 =	sshrl.u32 s26, $0x3;
	s18 =	sadd.s32 s31, s1  }
0x16: {  	s21 =	simm.s32 $0x3;
	s25 =	simm.s32 $0x1;
	s26 =	simm.s32 $0x100  }
0x17: {  	[dreg:$0x5] =	wrdreg s22;
	s17 =	sadd.s32 s0, s4;
	s22 =	simm.s32 $0x80  }
.LBB2_1:
0x18: {  	s0 =	rddreg [dreg:$0x4]  }
0x19: {  	s5 =	rddreg [dreg:$0x5];
	s31 =	sshrl.u32 s0, $0x3  }
0x1a: {  	[spmem:s31], [sflag:s7] =	dma.local [hbm:s5], $0x2780  }
0x1b: {  	_ =	swait.ge [sflag:s21], $0x2780  }
0x1c: {  	[sflag:s21] =	ssyncset.done $0x0  }
0x1d: {  	[sflag:s21] =	ssyncadd.s32 $0xFFFFD880  }
0x1e: {  	[bflag:$0x0] =	sbarrier.arrive $0xFFFF  }
0x1f: {  	[tilespmem:s3], [sflag:$0x3] =	stream.linear.gather [hbm4b:s8+s3], $0x80, $0x38;
	[tilespmem:$0x1BE00] =	vst v63  }
0x20: {  	_ =	swait.ge [sflag:s21], $0x80  }
0x21: {  	[sflag:s21] =	ssyncset.done $0x0  }
0x22: {  	[sflag:s21] =	ssyncadd.s32 $0xFFFFFF80  }
0x23: {  	[tilespmem:s23], [sflag:$0x1] =	stream.indirect.gather [hbm4b:s9+s22], $0x80, s3, s22, $0xb8;
	[tilespmem:$0x1BE00] =	vst v63  }
0x24: {  	_ = 	snop  }
0x25: {  	[tilespmem:s22], [sflag:$0x3] =	stream.linear.gather [hbm4b:s10+s3], $0x80, $0x38;
	[tilespmem:$0x1BE00] =	vst v63  }
0x26: {  	_ =	swait.ge [sflag:s21], $0x80  }
0x27: {  	[sflag:s21] =	ssyncset.done $0x0  }
0x28: {  	[sflag:s21] =	ssyncadd.s32 $0xFFFFFF80  }
0x29: {  	[tilespmem:s24], [sflag:$0x2] =	stream.indirect.gather [hbm4b:s9+s22], $0x80, s22, s22, $0xb8;
	[tilespmem:$0x1BE00] =	vst v63  }
0x2a: {  	_ =	swait.ge [sflag:s25], $0x4000  }
0x2b: {  	[sflag:s25] =	ssyncset.done $0x0  }
0x2c: {  	s6 =	sadd.s32 $0x0, s20;
	[sflag:s25] =	ssyncadd.s32 $0xFFFFC000  }
0x2d: {  	[tilespmem:s26], [sflag:$0x3] =	stream.linear.gather [hbm4b:s6+s3], $0x80, $0x38;
	[tilespmem:$0x1BE00] =	vst v63  }
0x2e: {  	_ =	swait.ge [sflag:s21], $0x80  }
0x2f: {  	[sflag:s21] =	ssyncset.done $0x0  }
0x30: {  	[sflag:s21] =	ssyncadd.s32 $0xFFFFFF80  }
0x31: {  	[spmem:s2] =	stream.indirect.scatter.add.f32 [tilespmem:s23], [sflag:$0x3], $0x80, s26, s22, $0xb8;
	[tilespmem:$0x1BE00] =	vst v63  }
0x32: {  	_ =	swait.ge [sflag:s21], $0x4000  }
0x33: {  	s1 =	sshrl.u32 s19, $0x3;
	[sflag:s21] =	ssyncset.done $0x0  }
0x34: {  	s0 =	sadd.s32 s4, s1;
	[sflag:s21] =	ssyncadd.s32 $0xFFFFC000  }
0x35: {  	[tilespmem:s3], [sflag:$0x3] =	stream.linear.gather [hbm4b:s0+s3], $0x80, $0x38;
	[tilespmem:$0x1BE00] =	vst v63  }
0x36: {  	_ =	swait.ge [sflag:s21], $0x80  }
0x37: {  	[sflag:s21] =	ssyncset.done $0x0  }
0x38: {  	[sflag:s21] =	ssyncadd.s32 $0xFFFFFF80  }
0x39: {  	[tilespmem:s23], [sflag:$0x1] =	stream.indirect.gather [hbm4b:s9+s22], $0x80, s3, s22, $0xb8;
	[tilespmem:$0x1BE00] =	vst v63  }
0x3a: {  	_ =	swait.ge [sflag:s28], $0x4000  }
0x3b: {  	[sflag:s28] =	ssyncset.done $0x0  }
0x3c: {  	s5 =	sadd.s32 $0x0, s18;
	[sflag:s28] =	ssyncadd.s32 $0xFFFFC000  }
0x3d: {  	[tilespmem:s29], [sflag:$0x3] =	stream.linear.gather [hbm4b:s5+s3], $0x80, $0x38;
	[tilespmem:$0x1BE00] =	vst v63  }
0x3e: {  	_ =	swait.ge [sflag:s21], $0x80  }
0x3f: {  	[sflag:s21] =	ssyncset.done $0x0  }
0x40: {  	[sflag:s21] =	ssyncadd.s32 $0xFFFFFF80  }
0x41: {  	[spmem:s2] =	stream.indirect.scatter.add.f32 [tilespmem:s24], [sflag:$0x3], $0x80, s29, s22, $0xb8;
	[tilespmem:$0x1BE00] =	vst v63  }
0x42: {  	_ =	swait.ge [sflag:s21], $0x4000  }
0x43: {  	[sflag:s21] =	ssyncset.done $0x0  }
0x44: {  	s6 =	sadd.s32 $0x0, s17;
	[sflag:s21] =	ssyncadd.s32 $0xFFFFC000  }
0x45: {  	[tilespmem:s22], [sflag:$0x3] =	stream.linear.gather [hbm4b:s6+s3], $0x80, $0x38;
	[tilespmem:$0x1BE00] =	vst v63  }
0x46: {  	_ =	swait.ge [sflag:s21], $0x80  }
0x47: {  	[sflag:s21] =	ssyncset.done $0x0  }
0x48: {  	s1 =	sadd.s32 $0x100, s19;
	s0 =	simm.s32 $0x20;
	[sflag:s21] =	ssyncadd.s32 $0xFFFFFF80  }
.LBB2_2:
0x49: {  	[tilespmem:s24], [sflag:$0x2] =	stream.indirect.gather [hbm4b:s9+s22], $0x80, s22, s22, $0xb8;
	[tilespmem:$0x1BE00] =	vst v63  }
0x4a: {  	s5 =	smov.u32 s0  }
0x4b: {  	p0 =	sne.s32 s0, $0x4A0;
	s0 =	sadd.s32 $0x20, s0;
	_ =	swait.ge [sflag:s25], $0x4000  }
0x4c: {  	[sflag:s25] =	ssyncset.done $0x0  }
0x4d: {  	s6 =	sadd.s32 s5, s20;
	[sflag:s25] =	ssyncadd.s32 $0xFFFFC000  }
0x4e: {  	[tilespmem:s26], [sflag:$0x3] =	stream.linear.gather [hbm4b:s6+s3], $0x80, $0x38;
	[tilespmem:$0x1BE00] =	vst v63  }
0x4f: {  	_ =	swait.ge [sflag:s21], $0x80  }
0x50: {  	[sflag:s21] =	ssyncset.done $0x0  }
0x51: {  	[sflag:s21] =	ssyncadd.s32 $0xFFFFFF80  }
0x52: {  	[spmem:s2] =	stream.indirect.scatter.add.f32 [tilespmem:s23], [sflag:$0x3], $0x80, s26, s22, $0xb8;
	[tilespmem:$0x1BE00] =	vst v63  }
0x53: {  	_ =	swait.ge [sflag:s21], $0x4000  }
0x54: {  	s6 =	sshrl.u32 s1, $0x3;
	[sflag:s21] =	ssyncset.done $0x0  }
0x55: {  	s6 =	sadd.s32 s4, s6;
	[sflag:s21] =	ssyncadd.s32 $0xFFFFC000  }
0x56: {  	[tilespmem:s3], [sflag:$0x3] =	stream.linear.gather [hbm4b:s6+s3], $0x80, $0x38;
	[tilespmem:$0x1BE00] =	vst v63  }
0x57: {  	_ =	swait.ge [sflag:s21], $0x80  }
0x58: {  	[sflag:s21] =	ssyncset.done $0x0  }
0x59: {  	[sflag:s21] =	ssyncadd.s32 $0xFFFFFF80  }
0x5a: {  	[tilespmem:s23], [sflag:$0x1] =	stream.indirect.gather [hbm4b:s9+s22], $0x80, s3, s22, $0xb8;
	[tilespmem:$0x1BE00] =	vst v63  }
0x5b: {  	_ =	swait.ge [sflag:s28], $0x4000  }
0x5c: {  	[sflag:s28] =	ssyncset.done $0x0  }
0x5d: {  	s6 =	sadd.s32 s5, s18;
	[sflag:s28] =	ssyncadd.s32 $0xFFFFC000  }
0x5e: {  	[tilespmem:s29], [sflag:$0x3] =	stream.linear.gather [hbm4b:s6+s3], $0x80, $0x38;
	[tilespmem:$0x1BE00] =	vst v63  }
0x5f: {  	_ =	swait.ge [sflag:s21], $0x80  }
0x60: {  	[sflag:s21] =	ssyncset.done $0x0  }
0x61: {  	[sflag:s21] =	ssyncadd.s32 $0xFFFFFF80  }
0x62: {  	[spmem:s2] =	stream.indirect.scatter.add.f32 [tilespmem:s24], [sflag:$0x3], $0x80, s29, s22, $0xb8;
	[tilespmem:$0x1BE00] =	vst v63  }
0x63: {  	_ =	swait.ge [sflag:s21], $0x4000  }
0x64: {  	[sflag:s21] =	ssyncset.done $0x0  }
.Ltmp0:
0x65: {  	s5 =	sadd.s32 s5, s17;
	[sflag:s21] =	ssyncadd.s32 $0xFFFFC000;
	(pc) =	sbr.rel @p0 .LBB2_2-.Ltmp0, $4  }
0x66: {  	[tilespmem:s22], [sflag:$0x3] =	stream.linear.gather [hbm4b:s5+s3], $0x80, $0x38;
	[tilespmem:$0x1BE00] =	vst v63  }
0x67: {  	_ =	swait.ge [sflag:s21], $0x80  }
0x68: {  	[sflag:s21] =	ssyncset.done $0x0  }
0x69: {  	s1 =	sadd.s32 $0x100, s1;
	[sflag:s21] =	ssyncadd.s32 $0xFFFFFF80  }
0x6a: {  	[tilespmem:s24], [sflag:$0x2] =	stream.indirect.gather [hbm4b:s9+s22], $0x80, s22, s22, $0xb8;
	[tilespmem:$0x1BE00] =	vst v63  }
0x6b: {  	_ =	swait.ge [sflag:s25], $0x4000  }
0x6c: {  	[sflag:s25] =	ssyncset.done $0x0  }
0x6d: {  	[sflag:s25] =	ssyncadd.s32 $0xFFFFC000  }
0x6e: {  	[tilespmem:s26], [sflag:$0x3] =	stream.linear.gather [hbm4b:s11+s3], $0x80, $0x38;
	[tilespmem:$0x1BE00] =	vst v63  }
0x6f: {  	_ =	swait.ge [sflag:s21], $0x80  }
0x70: {  	[sflag:s21] =	ssyncset.done $0x0  }
0x71: {  	[sflag:s21] =	ssyncadd.s32 $0xFFFFFF80  }
0x72: {  	[spmem:s2] =	stream.indirect.scatter.add.f32 [tilespmem:s23], [sflag:$0x3], $0x80, s26, s22, $0xb8;
	[tilespmem:$0x1BE00] =	vst v63  }
0x73: {  	_ =	swait.ge [sflag:s21], $0x4000  }
0x74: {  	[sflag:s21] =	ssyncset.done $0x0  }
0x75: {  	[sflag:s21] =	ssyncadd.s32 $0xFFFFC000  }
0x76: {  	[tilespmem:s3], [sflag:$0x3] =	stream.linear.gather [hbm4b:s12+s3], $0x80, $0x38;
	[tilespmem:$0x1BE00] =	vst v63  }
0x77: {  	_ =	swait.ge [sflag:s21], $0x80  }
0x78: {  	[sflag:s21] =	ssyncset.done $0x0  }
0x79: {  	[sflag:s21] =	ssyncadd.s32 $0xFFFFFF80  }
0x7a: {  	[tilespmem:s23], [sflag:$0x1] =	stream.indirect.gather [hbm4b:s9+s22], $0x80, s3, s22, $0xb8;
	[tilespmem:$0x1BE00] =	vst v63  }
0x7b: {  	_ =	swait.ge [sflag:s28], $0x4000  }
0x7c: {  	[sflag:s28] =	ssyncset.done $0x0  }
0x7d: {  	[sflag:s28] =	ssyncadd.s32 $0xFFFFC000  }
0x7e: {  	[tilespmem:s29], [sflag:$0x3] =	stream.linear.gather [hbm4b:s13+s3], $0x80, $0x38;
	[tilespmem:$0x1BE00] =	vst v63  }
0x7f: {  	_ =	swait.ge [sflag:s21], $0x80  }
0x80: {  	[sflag:s21] =	ssyncset.done $0x0  }
0x81: {  	[sflag:s21] =	ssyncadd.s32 $0xFFFFFF80  }
0x82: {  	[spmem:s2] =	stream.indirect.scatter.add.f32 [tilespmem:s24], [sflag:$0x3], $0x80, s29, s22, $0xb8;
	[tilespmem:$0x1BE00] =	vst v63  }
0x83: {  	_ =	swait.ge [sflag:s21], $0x4000  }
0x84: {  	[sflag:s21] =	ssyncset.done $0x0  }
0x85: {  	[sflag:s21] =	ssyncadd.s32 $0xFFFFC000  }
0x86: {  	_ =	swait.ge [sflag:s25], $0x4000  }
0x87: {  	[sflag:s25] =	ssyncset.done $0x0  }
0x88: {  	[sflag:s25] =	ssyncadd.s32 $0xFFFFC000  }
0x89: {  	[tilespmem:s26], [sflag:$0x3] =	stream.linear.gather [hbm4b:s14+s3], $0x80, $0x38;
	[tilespmem:$0x1BE00] =	vst v63  }
0x8a: {  	_ =	swait.ge [sflag:s21], $0x80  }
0x8b: {  	[sflag:s21] =	ssyncset.done $0x0  }
0x8c: {  	[sflag:s21] =	ssyncadd.s32 $0xFFFFFF80  }
0x8d: {  	[spmem:s2] =	stream.indirect.scatter.add.f32 [tilespmem:s23], [sflag:$0x3], $0x80, s26, s22, $0xb8;
	[tilespmem:$0x1BE00] =	vst v63  }
0x8e: {  	_ =	swait.ge [sflag:s21], $0x4000  }
0x8f: {  	s30 =	sadd.s32 $0x1, s30;
	[sflag:s21] =	ssyncset.done $0x0  }
0x90: {  	p0 =	sne.s32 s30, s16;
	[sflag:s21] =	ssyncadd.s32 $0xFFFFC000  }
.Ltmp1:
0x91: {  	[bflag:$0x0] =	sbarrier.arrive $0xFFFF;
	(pc) =	sbr.rel @p0 .LBB2_1-.Ltmp1, $4  }
0x92: {  	[hbm:s15], [sflag:s7] =	dma.local [spmem:s31], $0x2780  }
0x93: {  	_ =	swait.ge [sflag:s21], $0x2780  }
0x94: {  	[sflag:s21] =	ssyncset.done $0x0  }
0x95: {  	[sflag:s21] =	ssyncadd.s32 $0xFFFFD880  }
0x96: {  	_ =	sfence.sel $0x180000  }
0x97: {  	[bflag:$0x0] =	sbarrier.arrive $0xFFFF  }
0x98: {  	_ =	strace $0x9000004A  }
0x99: {  	s0 =	stileid.u32;
	[bflag:$0x2] =	sbarrier.arrive $0xFFFF  }
0x9a: {  	p0 =	sne.s32 s0, $0x0;
	s0 =	rddreg [dreg:$0x3]  }
0x9b: {  	s0 =	sadd.s32 @!p0 $0x100000, s0  }
0x9c: {  	[sflag:s0] =	ssyncadd.tile.s32 @!p0 $0x1;
	_ =	shalt  }
.Lfunc_end2:
_tile_overlayer_lowered:
.L_overlay_start_2:
0x9d: {  	(tag) =	ssettag $0x2  }
0x9e: {  	s0 =	rddreg [dreg:$0x0];
	s2 =	stileid.u32  }
0x9f: {  	s1 =	rddreg [dreg:$0x1];
	p0 =	sne.s32 s2, $0x0  }
0xa0: {  	s3 =	rddreg [dreg:$0x2];
	[bflag:$0x3] =	sbarrier.arrive $0xFFFF;
	s2 =	simm.s32 @!p0 $0x1C03  }
0xa1: {  	[timem:s3], [sflag:s2] =	dma.local @!p0 [hbm:s0], s1  }
0xa2: {  	s0 =	simm.s32 @!p0 $0x3  }
0xa3: {  	_ =	swait.ge @!p0 [sflag:s0], s1  }
0xa4: {  	s1 =	ssub.s32 @!p0 $0x0, s1;
	[sflag:s0] =	ssyncset.done @!p0 $0x0  }
0xa5: {  	[sflag:s0] =	ssyncadd.s32 @!p0 s1  }
0xa6: {  	[bflag:$0x3] =	sbarrier.arrive $0xFFFF  }
0xa7: {  	_ =	shalt  }

// kernel: kernel.14.cloned.1.call-start
scs
__scs_entry_jumppad:
0x0: {  	(pc) =	sbr.rel $0x88, $3  }
0x1: {  	(tag) =	ssettag $0x0;
	lr =	simm.s32 $0x1  }
0x2: {  	[smem:$0x3F99] =	sst lr;
	_ =	strace $0xD0000000  }
0x3: {  	_ = 	snop  }
0x4: {  	_ = 	snop  }
0x5: {  	_ = 	snop  }
0x6: {  	_ = 	snop  }
0x7: {  	_ = 	snop  }
__scs_overlays_trampoline_lowered:
0x8: {  	[smem:$0x3FA8] =	sst s0  }
0x9: {  	[smem:$0x3FA9] =	sst s1  }
0xa: {  	[smem:$0x3FAA] =	sst s2  }
0xb: {  	[smem:$0x3FAB] =	sst s3  }
0xc: {  	[smem:$0x3FAC] =	sst s4  }
0xd: {  	[smem:$0x3FAD] =	sst s5  }
0xe: {  	[smem:$0x3FAE] =	sst s6  }
0xf: {  	[smem:$0x3FAF] =	sst s7  }
0x10: {  	[smem:$0x3FB0] =	sst s8  }
0x11: {  	[smem:$0x3FB1] =	sst s9;
	s0 =	simm.s32 @!p0 $0x0  }
0x12: {  	s1 =	sld [smem:$0x3F97];
	s0 =	simm.s32 @p0 $0x1  }
0x13: {  	[smem:$0x3FB2] =	sst s0;
	s0 =	simm.s32 @!p1 $0x0  }
0x14: {  	s2 =	sld [smem:$0x3F96];
	s0 =	simm.s32 @p1 $0x1  }
0x15: {  	[smem:$0x3FB3] =	sst s0;
	s0 =	simm.s32 @!p2 $0x0  }
0x16: {  	s3 =	sld [smem:$0x3FDB];
	s0 =	simm.s32 @p2 $0x1  }
0x17: {  	s4 =	simm.s32 $0x1BF5;
	[smem:$0x3FB5] =	sst s0  }
0x18: {  	s0 =	sld [smem:$0x3F98];
	_ =	swait.ge [sflag:s4], $0x0  }
0x19: {  	s7 =	sld [smem:$0x3F99]  }
0x1a: {  	s8 =	sadd.s32 $0xFFFFE003, lr  }
0x1b: {  	s9 =	sadd.s32 $0xFFFFFEF7, lr;
	s5 =	simm.s32 $0xFFFFFFFF;
	p2 =	slt.u32 s8, $0xFFFFF086  }
0x1c: {  	p1 =	slt.u32 s9, $0xF7A;
	s5 =	simm.s32 @!p2 $0x0  }
0x1d: {  	s5 =	simm.s32 @p1 $0x1;
	p0 =	seq.s32 s7, s2  }
0x1e: {  	s7 =	smul.u32 @!p0 $0xF7A, s2;
	p2 =	seq.s32 @!p0 s5, $0x0  }
0x1f: {  	s9 =	smul.u32 $0xF7A, s1;
	s8 =	simm.s32 @!p0 $0x1BF5;
	p2 =	por !p2, p0  }
0x20: {  	[sflag:s8] =	ssyncset.s32 @!p0 $0xFFFFF086;
	s6 =	sadd.s32 @!p0 s3, s7;
	s7 =	simm.s32 @!p0 $0x108  }
0x21: {  	s3 =	sadd.s32 s3, s9;
	s6 =	sadd.s32 @!p0 $0x88, s6;
	s7 =	simm.s32 @p2 $0x1082  }
0x22: {  	[simem:s7], [sflag:s8] =	dma.local @!p0 [hbm:s6], $0xF7A  }
0x23: {  	s9 =	sor.u32 $0xD0000000, s2;
	s6 =	simm.s32 $0x108;
	_ =	swait.ge @!p0 [sflag:s8], $0x0  }
0x24: {  	s3 =	sadd.s32 $0x88, s3;
	s6 =	simm.s32 @!p1 $0x1082;
	[sflag:s4] =	ssyncset.s32 $0xFFFFF086  }
0x25: {  	[simem:s6], [sflag:s4] =	dma.local [hbm:s3], $0xF7A  }
0x26: {  	[smem:$0x3F99] =	sst s1;
	(tag) =	ssettag s2;
	_ =	strace s9  }
0x27: {  	s1 =	sld [smem:$0x3FA9]  }
0x28: {  	s2 =	sld [smem:$0x3FAA]  }
0x29: {  	s4 =	sld [smem:$0x3FAC]  }
0x2a: {  	p0 =	seq.s32 s5, $0x0;
	s5 =	sld [smem:$0x3FAD]  }
0x2b: {  	s6 =	sld [smem:$0x3FAE]  }
0x2c: {  	s7 =	sld [smem:$0x3FAF]  }
0x2d: {  	s3 =	simm.s32 $0x108;
	s8 =	sld [smem:$0x3FB0]  }
0x2e: {  	s3 =	simm.s32 @!p0 $0x1082;
	s9 =	sld [smem:$0x3FB1]  }
0x2f: {  	lr =	sadd.s32 s0, s3;
	s0 =	sld [smem:$0x3FA8]  }
0x30: {  	s3 =	sld [smem:$0x3FAB]  }
0x31: {  	[smem:$0x3FB4] =	sst s10  }
0x32: {  	s10 =	sld [smem:$0x3FB2];
	_ =	sdelay $0x3  }
0x33: {  	p0 =	seq.s32 s10, $0x1;
	s10 =	sld [smem:$0x3FB4];
	_ =	sdelay $0x3  }
0x34: {  	[smem:$0x3FB4] =	sst s10  }
0x35: {  	s10 =	sld [smem:$0x3FB3];
	_ =	sdelay $0x3  }
0x36: {  	p1 =	seq.s32 s10, $0x1;
	s10 =	sld [smem:$0x3FB4];
	_ =	sdelay $0x3  }
0x37: {  	[smem:$0x3FB4] =	sst s10  }
0x38: {  	s10 =	sld [smem:$0x3FB5]  }
0x39: {  	_ = 	snop;
	(pc) =	sbr.ind lr, $3  }
0x3a: {  	_ = 	snop  }
0x3b: {  	_ = 	snop  }
0x3c: {  	p2 =	seq.s32 s10, $0x1;
	s10 =	sld [smem:$0x3FB4]  }
0x3d: {  	_ =	shalt  }
0x3e: {  	_ =	shalt  }
0x3f: {  	_ =	shalt  }
0x40: {  	_ =	shalt  }
0x41: {  	_ =	shalt  }
0x42: {  	_ =	shalt  }
0x43: {  	_ =	shalt  }
0x44: {  	_ =	shalt  }
0x45: {  	_ =	shalt  }
0x46: {  	_ =	shalt  }
0x47: {  	_ =	shalt  }
0x48: {  	_ =	shalt  }
0x49: {  	_ =	shalt  }
0x4a: {  	_ =	shalt  }
0x4b: {  	_ =	shalt  }
0x4c: {  	_ =	shalt  }
0x4d: {  	_ =	shalt  }
0x4e: {  	_ =	shalt  }
0x4f: {  	_ =	shalt  }
0x50: {  	_ =	shalt  }
0x51: {  	_ =	shalt  }
0x52: {  	_ =	shalt  }
0x53: {  	_ =	shalt  }
0x54: {  	_ =	shalt  }
0x55: {  	_ =	shalt  }
0x56: {  	_ =	shalt  }
0x57: {  	_ =	shalt  }
0x58: {  	_ =	shalt  }
0x59: {  	_ =	shalt  }
0x5a: {  	_ =	shalt  }
0x5b: {  	_ =	shalt  }
0x5c: {  	_ =	shalt  }
0x5d: {  	_ =	shalt  }
0x5e: {  	_ =	shalt  }
0x5f: {  	_ =	shalt  }
0x60: {  	_ =	shalt  }
0x61: {  	_ =	shalt  }
0x62: {  	_ =	shalt  }
0x63: {  	_ =	shalt  }
0x64: {  	_ =	shalt  }
0x65: {  	_ =	shalt  }
0x66: {  	_ =	shalt  }
0x67: {  	_ =	shalt  }
0x68: {  	_ =	shalt  }
0x69: {  	_ =	shalt  }
0x6a: {  	_ =	shalt  }
0x6b: {  	_ =	shalt  }
0x6c: {  	_ =	shalt  }
0x6d: {  	_ =	shalt  }
0x6e: {  	_ =	shalt  }
0x6f: {  	_ =	shalt  }
0x70: {  	_ =	shalt  }
0x71: {  	_ =	shalt  }
0x72: {  	_ =	shalt  }
0x73: {  	_ =	shalt  }
0x74: {  	_ =	shalt  }
0x75: {  	_ =	shalt  }
0x76: {  	_ =	shalt  }
0x77: {  	_ =	shalt  }
0x78: {  	_ =	shalt  }
0x79: {  	_ =	shalt  }
0x7a: {  	_ =	shalt  }
0x7b: {  	_ =	shalt  }
0x7c: {  	_ =	shalt  }
0x7d: {  	_ =	shalt  }
0x7e: {  	_ =	shalt  }
0x7f: {  	_ =	shalt  }
0x80: {  	_ =	shalt  }
0x81: {  	_ =	shalt  }
0x82: {  	_ =	shalt  }
0x83: {  	_ =	shalt  }
0x84: {  	_ =	shalt  }
0x85: {  	_ =	shalt  }
0x86: {  	_ =	shalt  }
0x87: {  	_ =	shalt  }
.Lfunc_end0:
.L_simem_size_0:
called_computation.2_lowered:
.L_overlay_start_0:
0x88: {  	s2 =	sld [smem:$0x3FD9]  }
0x89: {  	s3 =	sld [smem:$0x3FFE];
	_ =	sdelay $0x1  }
0x8a: {  	s1 =	srdreg.scid  }
0x8b: {  	s0 =	sand.u32 $0x1, s1  }
0x8c: {  	s17 =	sshll.u32 s0, $0xA;
	s2 =	sadd.s32 s3, s2  }
0x8d: {  	s2 =	sadd.s32 s2, s17  }
0x8e: {  	[smem:$0x3FC0] =	sst s2  }
0x8f: {  	_ = 	snop  }
0x90: {  	s2 =	sld [smem:$0x3FD0];
	(tm) =	ssettm $0x1  }
0x91: {  	s18 =	sld [smem:$0x3FFB];
	_ =	sdelay $0x3  }
0x92: {  	_ =	strace s18  }
0x93: {  	s3 =	sld [smem:$0x3FFC];
	_ =	sdelay $0x3  }
0x94: {  	_ =	strace s3  }
0x95: {  	s3 =	sld [smem:$0x3FFD];
	_ =	sdelay $0x3  }
0x96: {  	_ =	strace s3  }
0x97: {  	_ =	strace $0x8FFFFFFF  }
0x98: {  	s19 =	sld [smem:$0x3FDB];
	_ =	sdelay $0x1  }
0x99: {  	s4 =	simm.s32 $_scs_section_size  }
0x9a: {  	s5 =	simm.s32 $_size__tile_overlayer_lowered;
	s6 =	simm.s32 $_tile_overlayer_lowered  }
0x9b: {  	s22 =	simm.s32 $0x1BFF;
	s21 =	sshll.u32 s6, $0x1;
	s3 =	sadd.s32 s4, s19  }
0x9c: {  	s7 =	simm.s32 $0x0;
	s20 =	sshll.u32 s5, $0x1;
	s5 =	sadd.s32 s21, s3  }
0x9d: {  	[timem:s7], [sflag:s22] =	dma.local [hbm:s5], s20  }
0x9e: {  	_ =	swait.ge [sflag:s22], s20  }
0x9f: {  	s4 =	ssub.s32 $0x0, s20;
	[sflag:s22] =	ssyncset.done $0x0  }
0xa0: {  	[sflag:s22] =	ssyncadd.s32 s4;
	_ =	sdelay $0x1  }
0xa1: {  	s23 =	simm.s32 $0x1B8B  }
0xa2: {  	_ =	swait.ge [sflag:s23], $0x1  }
0xa3: {  	[sflag:s23] =	ssyncset.done $0x0  }
0xa4: {  	s25 =	simm.s32 $0x1B8E;
	s24 =	sld [smem:$0x3FFE];
	[sflag:s23] =	ssyncadd.s32 $0xFFFFFFFF  }
0xa5: {  	s26 =	simm.s32 $execute0_lowered;
	[smem:$0x3FD2] =	sst s25  }
0xa6: {  	s5 =	sshll.u32 s26, $0x1;
	_ =	strace $0x8000004C;
	[dreg:$0x1] =	wrdreg $0xFFFFFFFF  }
0xa7: {  	s28 =	simm.s32 $_size_execute0_lowered;
	s3 =	sadd.s32 s3, s5;
	[dreg:$0x0] =	wrdreg $0x0  }
0xa8: {  	s5 =	sshll.u32 s28, $0x1;
	[dreg:$0x2] =	wrdreg s3  }
0xa9: {  	[dreg:$0x3] =	wrdreg s5  }
0xaa: {  	[dreg:$0x4] =	wrdreg $0xC0  }
0xab: {  	_ =	task [dreg:s7], $0x5FFFF  }
0xac: {  	[dreg:$0x1] =	wrdreg $0xFFFFFFFF  }
0xad: {  	[dreg:$0x0] =	wrdreg $0x60  }
0xae: {  	[dreg:$0x2] =	wrdreg s24  }
0xaf: {  	[dreg:$0x3] =	wrdreg s2  }
0xb0: {  	[dreg:$0x4] =	wrdreg $0x82000  }
0xb1: {  	[dreg:$0x5] =	wrdreg $0x9  }
0xb2: {  	_ =	task.clear_ibuf [dreg:s7], $0x6FFFF;
	_ =	strace $0x9000004C  }
0xb3: {  	s29 =	simm.s32 $0x9;
	_ =	strace $0x8000004E  }
0xb4: {  	_ =	swait.ge [sflag:s29], $0x1  }
0xb5: {  	[sflag:s29] =	ssyncadd.s32 $0xFFFFFFFF  }
0xb6: {  	_ =	strace $0x9000004E  }
0xb7: {  	_ =	sfence  }
0xb8: {  	s30 =	sld [smem:$0x0];
	_ =	sdelay $0x2  }
0xb9: {  	s31 =	sshll.u32 s1, $0xD;
	s1 =	sshrl.u32 s1, $0x2  }
0xba: {  	s3 =	sand.u32 $0x4000, s31;
	s1 =	sadd.s32 s1, s30  }
0xbb: {  	s0 =	sor.u32 s3, s0;
	s1 =	sshll.u32 s1, $0x11  }
0xbc: {  	s0 =	sor.u32 s1, s0  }
0xbd: {  	s0 =	sadd.s32 $0x8F2B, s0  }
0xbe: {  	[sflag:s0] =	ssyncadd.remote.s32 $0x1  }
0xbf: {  	_ =	sfence.sel $0xFFFF  }
0xc0: {  	[dreg:$0x0] =	wrdreg $0xFFFFFFFF;
	(pc) =	sbr.abs _section_cstart, $3  }
0xc1: {  	[dreg:$0x1] =	wrdreg $0xFFFFFFFF  }
0xc2: {  	_ =	task.clear_ibuf [dreg:s7], $0x2FFFF;
	_ =	strace $0x9FFFFFFF  }
0xc3: {  	(tm) =	ssettm $0x7FFFFFFF  }
tec
execute0_lowered:
.L_overlay_start_1:
0x0: {  	(tag) =	ssettag $0x1  }
0x1: {  	s0 =	rddreg [dreg:$0x0]  }
0x2: {  	s1 =	rddreg [dreg:$0x1];
	s3 =	srdreg.scid  }
0x3: {  	s2 =	rddreg [dreg:$0x2];
	s13 =	stileid.u32;
	s28 =	simm.s32 $0x2  }
0x4: {  	s29 =	simm.s32 $0x180;
	s30 =	simm.s32 $0x0;
	s5 =	smul.u32 $0x13C00, s13  }
0x5: {  	s10 =	sand.u32 $0x1, s3;
	s3 =	simm.s32 $0x0;
	s11 =	smul.u32 $0x4F000, s13  }
0x6: {  	s8 =	sshll.u32 s13, $0x1;
	s23 =	sshll.u32 s13, $0x6;
	s14 =	smul.u32 $0x4F00, s13  }
0x7: {  	s4 =	smul.u32 $0x13C000, s10;
	[smem:$0x7FF] =	sst s3;
	s18 =	ssub.s32 $0x2, s10  }
0x8: {  	s8 =	sor.u32 s10, s8;
	s15 =	smul.u32 $0x2780, s10;
	_ =	strace $0x8000004D  }
0x9: {  	s19 =	sshrl.u32 s18, $0x1;
	s8 =	smul.u32 $0x2780, s8;
	s11 =	sshrl.u32 s11, $0x2  }
0xa: {  	s12 =	sshrl.u32 s5, $0x3;
	s6 =	sshrl.u32 s4, $0x3;
	s7 =	sadd.s32 s5, s4  }
0xb: {  	s4 =	sadd.s32 $0xA0A00, s0;
	s16 =	ssub.s32 s18, s19;
	s20 =	sadd.s32 s11, s2  }
0xc: {  	s19 =	sadd.s32 s15, s14;
	s9 =	sadd.s32 s6, s0;
	s17 =	sshrl.u32 s7, $0x3  }
0xd: {  	[dreg:$0x4] =	wrdreg s20;
	s24 =	sshrl.u32 s8, $0x3;
	s7 =	sor.u32 $0x1C03, s23  }
0xe: {  	s26 =	sadd.s32 $0x180, s19;
	s16 =	smax.u32 s16, $0x1;
	s18 =	sadd.s32 $0x80, s19  }
0xf: {  	s20 =	sshrl.u32 s19, $0x3;
	s19 =	sadd.s32 $0x100, s19;
	s23 =	simm.s32 $0x200  }
0x10: {  	s0 =	sadd.s32 s17, s0;
	s21 =	sadd.s32 s12, s9;
	s8 =	sadd.s32 s4, s24  }
0x11: {  	s9 =	sadd.s32 $0x51A00, s9;
	s25 =	sadd.s32 s1, s24;
	s17 =	sadd.s32 $0x4E0, s24  }
0x12: {  	s31 =	sshrl.u32 s18, $0x3;
	s20 =	sadd.s32 s20, s1;
	s24 =	simm.s32 $0x4200  }
0x13: {  	s22 =	sadd.s32 $0x2A00, s21;
	s10 =	sadd.s32 $0x10, s8;
	s11 =	sadd.s32 $0x4C0, s25  }
0x14: {  	s12 =	sadd.s32 s4, s17;
	s13 =	sadd.s32 $0x4D0, s25;
	s14 =	sadd.s32 s1, s17  }
0x15: {  	s15 =	sadd.s32 $0xAA800, s0;
	s0 =	sshrl.u32 s26, $0x3;
	s18 =	sadd.s32 s31, s1  }
0x16: {  	s21 =	simm.s32 $0x3;
	s25 =	simm.s32 $0x1;
	s26 =	simm.s32 $0x100  }
0x17: {  	[dreg:$0x5] =	wrdreg s22;
	s17 =	sadd.s32 s0, s4;
	s22 =	simm.s32 $0x80  }
.LBB2_1:
0x18: {  	s0 =	rddreg [dreg:$0x4]  }
0x19: {  	s5 =	rddreg [dreg:$0x5];
	s31 =	sshrl.u32 s0, $0x3  }
0x1a: {  	[spmem:s31], [sflag:s7] =	dma.local [hbm:s5], $0x2780  }
0x1b: {  	_ =	swait.ge [sflag:s21], $0x2780  }
0x1c: {  	[sflag:s21] =	ssyncset.done $0x0  }
0x1d: {  	[sflag:s21] =	ssyncadd.s32 $0xFFFFD880  }
0x1e: {  	[bflag:$0x0] =	sbarrier.arrive $0xFFFF  }
0x1f: {  	[tilespmem:s3], [sflag:$0x3] =	stream.linear.gather [hbm4b:s8+s3], $0x80, $0x38;
	[tilespmem:$0x1BE00] =	vst v63  }
0x20: {  	_ =	swait.ge [sflag:s21], $0x80  }
0x21: {  	[sflag:s21] =	ssyncset.done $0x0  }
0x22: {  	[sflag:s21] =	ssyncadd.s32 $0xFFFFFF80  }
0x23: {  	[tilespmem:s23], [sflag:$0x1] =	stream.indirect.gather [hbm4b:s9+s22], $0x80, s3, s22, $0xb8;
	[tilespmem:$0x1BE00] =	vst v63  }
0x24: {  	_ = 	snop  }
0x25: {  	[tilespmem:s22], [sflag:$0x3] =	stream.linear.gather [hbm4b:s10+s3], $0x80, $0x38;
	[tilespmem:$0x1BE00] =	vst v63  }
0x26: {  	_ =	swait.ge [sflag:s21], $0x80  }
0x27: {  	[sflag:s21] =	ssyncset.done $0x0  }
0x28: {  	[sflag:s21] =	ssyncadd.s32 $0xFFFFFF80  }
0x29: {  	[tilespmem:s24], [sflag:$0x2] =	stream.indirect.gather [hbm4b:s9+s22], $0x80, s22, s22, $0xb8;
	[tilespmem:$0x1BE00] =	vst v63  }
0x2a: {  	_ =	swait.ge [sflag:s25], $0x4000  }
0x2b: {  	[sflag:s25] =	ssyncset.done $0x0  }
0x2c: {  	s6 =	sadd.s32 $0x0, s20;
	[sflag:s25] =	ssyncadd.s32 $0xFFFFC000  }
0x2d: {  	[tilespmem:s26], [sflag:$0x3] =	stream.linear.gather [hbm4b:s6+s3], $0x80, $0x38;
	[tilespmem:$0x1BE00] =	vst v63  }
0x2e: {  	_ =	swait.ge [sflag:s21], $0x80  }
0x2f: {  	[sflag:s21] =	ssyncset.done $0x0  }
0x30: {  	[sflag:s21] =	ssyncadd.s32 $0xFFFFFF80  }
0x31: {  	[spmem:s2] =	stream.indirect.scatter.add.f32 [tilespmem:s23], [sflag:$0x3], $0x80, s26, s22, $0xb8;
	[tilespmem:$0x1BE00] =	vst v63  }
0x32: {  	_ =	swait.ge [sflag:s21], $0x4000  }
0x33: {  	s1 =	sshrl.u32 s19, $0x3;
	[sflag:s21] =	ssyncset.done $0x0  }
0x34: {  	s0 =	sadd.s32 s4, s1;
	[sflag:s21] =	ssyncadd.s32 $0xFFFFC000  }
0x35: {  	[tilespmem:s3], [sflag:$0x3] =	stream.linear.gather [hbm4b:s0+s3], $0x80, $0x38;
	[tilespmem:$0x1BE00] =	vst v63  }
0x36: {  	_ =	swait.ge [sflag:s21], $0x80  }
0x37: {  	[sflag:s21] =	ssyncset.done $0x0  }
0x38: {  	[sflag:s21] =	ssyncadd.s32 $0xFFFFFF80  }
0x39: {  	[tilespmem:s23], [sflag:$0x1] =	stream.indirect.gather [hbm4b:s9+s22], $0x80, s3, s22, $0xb8;
	[tilespmem:$0x1BE00] =	vst v63  }
0x3a: {  	_ =	swait.ge [sflag:s28], $0x4000  }
0x3b: {  	[sflag:s28] =	ssyncset.done $0x0  }
0x3c: {  	s5 =	sadd.s32 $0x0, s18;
	[sflag:s28] =	ssyncadd.s32 $0xFFFFC000  }
0x3d: {  	[tilespmem:s29], [sflag:$0x3] =	stream.linear.gather [hbm4b:s5+s3], $0x80, $0x38;
	[tilespmem:$0x1BE00] =	vst v63  }
0x3e: {  	_ =	swait.ge [sflag:s21], $0x80  }
0x3f: {  	[sflag:s21] =	ssyncset.done $0x0  }
0x40: {  	[sflag:s21] =	ssyncadd.s32 $0xFFFFFF80  }
0x41: {  	[spmem:s2] =	stream.indirect.scatter.add.f32 [tilespmem:s24], [sflag:$0x3], $0x80, s29, s22, $0xb8;
	[tilespmem:$0x1BE00] =	vst v63  }
0x42: {  	_ =	swait.ge [sflag:s21], $0x4000  }
0x43: {  	[sflag:s21] =	ssyncset.done $0x0  }
0x44: {  	s6 =	sadd.s32 $0x0, s17;
	[sflag:s21] =	ssyncadd.s32 $0xFFFFC000  }
0x45: {  	[tilespmem:s22], [sflag:$0x3] =	stream.linear.gather [hbm4b:s6+s3], $0x80, $0x38;
	[tilespmem:$0x1BE00] =	vst v63  }
0x46: {  	_ =	swait.ge [sflag:s21], $0x80  }
0x47: {  	[sflag:s21] =	ssyncset.done $0x0  }
0x48: {  	s1 =	sadd.s32 $0x100, s19;
	s0 =	simm.s32 $0x20;
	[sflag:s21] =	ssyncadd.s32 $0xFFFFFF80  }
.LBB2_2:
0x49: {  	[tilespmem:s24], [sflag:$0x2] =	stream.indirect.gather [hbm4b:s9+s22], $0x80, s22, s22, $0xb8;
	[tilespmem:$0x1BE00] =	vst v63  }
0x4a: {  	s5 =	smov.u32 s0  }
0x4b: {  	p0 =	sne.s32 s0, $0x4A0;
	s0 =	sadd.s32 $0x20, s0;
	_ =	swait.ge [sflag:s25], $0x4000  }
0x4c: {  	[sflag:s25] =	ssyncset.done $0x0  }
0x4d: {  	s6 =	sadd.s32 s5, s20;
	[sflag:s25] =	ssyncadd.s32 $0xFFFFC000  }
0x4e: {  	[tilespmem:s26], [sflag:$0x3] =	stream.linear.gather [hbm4b:s6+s3], $0x80, $0x38;
	[tilespmem:$0x1BE00] =	vst v63  }
0x4f: {  	_ =	swait.ge [sflag:s21], $0x80  }
0x50: {  	[sflag:s21] =	ssyncset.done $0x0  }
0x51: {  	[sflag:s21] =	ssyncadd.s32 $0xFFFFFF80  }
0x52: {  	[spmem:s2] =	stream.indirect.scatter.add.f32 [tilespmem:s23], [sflag:$0x3], $0x80, s26, s22, $0xb8;
	[tilespmem:$0x1BE00] =	vst v63  }
0x53: {  	_ =	swait.ge [sflag:s21], $0x4000  }
0x54: {  	s6 =	sshrl.u32 s1, $0x3;
	[sflag:s21] =	ssyncset.done $0x0  }
0x55: {  	s6 =	sadd.s32 s4, s6;
	[sflag:s21] =	ssyncadd.s32 $0xFFFFC000  }
0x56: {  	[tilespmem:s3], [sflag:$0x3] =	stream.linear.gather [hbm4b:s6+s3], $0x80, $0x38;
	[tilespmem:$0x1BE00] =	vst v63  }
0x57: {  	_ =	swait.ge [sflag:s21], $0x80  }
0x58: {  	[sflag:s21] =	ssyncset.done $0x0  }
0x59: {  	[sflag:s21] =	ssyncadd.s32 $0xFFFFFF80  }
0x5a: {  	[tilespmem:s23], [sflag:$0x1] =	stream.indirect.gather [hbm4b:s9+s22], $0x80, s3, s22, $0xb8;
	[tilespmem:$0x1BE00] =	vst v63  }
0x5b: {  	_ =	swait.ge [sflag:s28], $0x4000  }
0x5c: {  	[sflag:s28] =	ssyncset.done $0x0  }
0x5d: {  	s6 =	sadd.s32 s5, s18;
	[sflag:s28] =	ssyncadd.s32 $0xFFFFC000  }
0x5e: {  	[tilespmem:s29], [sflag:$0x3] =	stream.linear.gather [hbm4b:s6+s3], $0x80, $0x38;
	[tilespmem:$0x1BE00] =	vst v63  }
0x5f: {  	_ =	swait.ge [sflag:s21], $0x80  }
0x60: {  	[sflag:s21] =	ssyncset.done $0x0  }
0x61: {  	[sflag:s21] =	ssyncadd.s32 $0xFFFFFF80  }
0x62: {  	[spmem:s2] =	stream.indirect.scatter.add.f32 [tilespmem:s24], [sflag:$0x3], $0x80, s29, s22, $0xb8;
	[tilespmem:$0x1BE00] =	vst v63  }
0x63: {  	_ =	swait.ge [sflag:s21], $0x4000  }
0x64: {  	[sflag:s21] =	ssyncset.done $0x0  }
.Ltmp0:
0x65: {  	s5 =	sadd.s32 s5, s17;
	[sflag:s21] =	ssyncadd.s32 $0xFFFFC000;
	(pc) =	sbr.rel @p0 .LBB2_2-.Ltmp0, $4  }
0x66: {  	[tilespmem:s22], [sflag:$0x3] =	stream.linear.gather [hbm4b:s5+s3], $0x80, $0x38;
	[tilespmem:$0x1BE00] =	vst v63  }
0x67: {  	_ =	swait.ge [sflag:s21], $0x80  }
0x68: {  	[sflag:s21] =	ssyncset.done $0x0  }
0x69: {  	s1 =	sadd.s32 $0x100, s1;
	[sflag:s21] =	ssyncadd.s32 $0xFFFFFF80  }
0x6a: {  	[tilespmem:s24], [sflag:$0x2] =	stream.indirect.gather [hbm4b:s9+s22], $0x80, s22, s22, $0xb8;
	[tilespmem:$0x1BE00] =	vst v63  }
0x6b: {  	_ =	swait.ge [sflag:s25], $0x4000  }
0x6c: {  	[sflag:s25] =	ssyncset.done $0x0  }
0x6d: {  	[sflag:s25] =	ssyncadd.s32 $0xFFFFC000  }
0x6e: {  	[tilespmem:s26], [sflag:$0x3] =	stream.linear.gather [hbm4b:s11+s3], $0x80, $0x38;
	[tilespmem:$0x1BE00] =	vst v63  }
0x6f: {  	_ =	swait.ge [sflag:s21], $0x80  }
0x70: {  	[sflag:s21] =	ssyncset.done $0x0  }
0x71: {  	[sflag:s21] =	ssyncadd.s32 $0xFFFFFF80  }
0x72: {  	[spmem:s2] =	stream.indirect.scatter.add.f32 [tilespmem:s23], [sflag:$0x3], $0x80, s26, s22, $0xb8;
	[tilespmem:$0x1BE00] =	vst v63  }
0x73: {  	_ =	swait.ge [sflag:s21], $0x4000  }
0x74: {  	[sflag:s21] =	ssyncset.done $0x0  }
0x75: {  	[sflag:s21] =	ssyncadd.s32 $0xFFFFC000  }
0x76: {  	[tilespmem:s3], [sflag:$0x3] =	stream.linear.gather [hbm4b:s12+s3], $0x80, $0x38;
	[tilespmem:$0x1BE00] =	vst v63  }
0x77: {  	_ =	swait.ge [sflag:s21], $0x80  }
0x78: {  	[sflag:s21] =	ssyncset.done $0x0  }
0x79: {  	[sflag:s21] =	ssyncadd.s32 $0xFFFFFF80  }
0x7a: {  	[tilespmem:s23], [sflag:$0x1] =	stream.indirect.gather [hbm4b:s9+s22], $0x80, s3, s22, $0xb8;
	[tilespmem:$0x1BE00] =	vst v63  }
0x7b: {  	_ =	swait.ge [sflag:s28], $0x4000  }
0x7c: {  	[sflag:s28] =	ssyncset.done $0x0  }
0x7d: {  	[sflag:s28] =	ssyncadd.s32 $0xFFFFC000  }
0x7e: {  	[tilespmem:s29], [sflag:$0x3] =	stream.linear.gather [hbm4b:s13+s3], $0x80, $0x38;
	[tilespmem:$0x1BE00] =	vst v63  }
0x7f: {  	_ =	swait.ge [sflag:s21], $0x80  }
0x80: {  	[sflag:s21] =	ssyncset.done $0x0  }
0x81: {  	[sflag:s21] =	ssyncadd.s32 $0xFFFFFF80  }
0x82: {  	[spmem:s2] =	stream.indirect.scatter.add.f32 [tilespmem:s24], [sflag:$0x3], $0x80, s29, s22, $0xb8;
	[tilespmem:$0x1BE00] =	vst v63  }
0x83: {  	_ =	swait.ge [sflag:s21], $0x4000  }
0x84: {  	[sflag:s21] =	ssyncset.done $0x0  }
0x85: {  	[sflag:s21] =	ssyncadd.s32 $0xFFFFC000  }
0x86: {  	_ =	swait.ge [sflag:s25], $0x4000  }
0x87: {  	[sflag:s25] =	ssyncset.done $0x0  }
0x88: {  	[sflag:s25] =	ssyncadd.s32 $0xFFFFC000  }
0x89: {  	[tilespmem:s26], [sflag:$0x3] =	stream.linear.gather [hbm4b:s14+s3], $0x80, $0x38;
	[tilespmem:$0x1BE00] =	vst v63  }
0x8a: {  	_ =	swait.ge [sflag:s21], $0x80  }
0x8b: {  	[sflag:s21] =	ssyncset.done $0x0  }
0x8c: {  	[sflag:s21] =	ssyncadd.s32 $0xFFFFFF80  }
0x8d: {  	[spmem:s2] =	stream.indirect.scatter.add.f32 [tilespmem:s23], [sflag:$0x3], $0x80, s26, s22, $0xb8;
	[tilespmem:$0x1BE00] =	vst v63  }
0x8e: {  	_ =	swait.ge [sflag:s21], $0x4000  }
0x8f: {  	s30 =	sadd.s32 $0x1, s30;
	[sflag:s21] =	ssyncset.done $0x0  }
0x90: {  	p0 =	sne.s32 s30, s16;
	[sflag:s21] =	ssyncadd.s32 $0xFFFFC000  }
.Ltmp1:
0x91: {  	[bflag:$0x0] =	sbarrier.arrive $0xFFFF;
	(pc) =	sbr.rel @p0 .LBB2_1-.Ltmp1, $4  }
0x92: {  	[hbm:s15], [sflag:s7] =	dma.local [spmem:s31], $0x2780  }
0x93: {  	_ =	swait.ge [sflag:s21], $0x2780  }
0x94: {  	[sflag:s21] =	ssyncset.done $0x0  }
0x95: {  	[sflag:s21] =	ssyncadd.s32 $0xFFFFD880  }
0x96: {  	_ =	sfence.sel $0x180000  }
0x97: {  	[bflag:$0x0] =	sbarrier.arrive $0xFFFF  }
0x98: {  	_ =	strace $0x9000004D  }
0x99: {  	s0 =	stileid.u32;
	[bflag:$0x2] =	sbarrier.arrive $0xFFFF  }
0x9a: {  	p0 =	sne.s32 s0, $0x0;
	s0 =	rddreg [dreg:$0x3]  }
0x9b: {  	s0 =	sadd.s32 @!p0 $0x100000, s0  }
0x9c: {  	[sflag:s0] =	ssyncadd.tile.s32 @!p0 $0x1;
	_ =	shalt  }
.Lfunc_end2:
_tile_overlayer_lowered:
.L_overlay_start_2:
0x9d: {  	(tag) =	ssettag $0x2  }
0x9e: {  	s0 =	rddreg [dreg:$0x0];
	s2 =	stileid.u32  }
0x9f: {  	s1 =	rddreg [dreg:$0x1];
	p0 =	sne.s32 s2, $0x0  }
0xa0: {  	s3 =	rddreg [dreg:$0x2];
	[bflag:$0x3] =	sbarrier.arrive $0xFFFF;
	s2 =	simm.s32 @!p0 $0x1C03  }
0xa1: {  	[timem:s3], [sflag:s2] =	dma.local @!p0 [hbm:s0], s1  }
0xa2: {  	s0 =	simm.s32 @!p0 $0x3  }
0xa3: {  	_ =	swait.ge @!p0 [sflag:s0], s1  }
0xa4: {  	s1 =	ssub.s32 @!p0 $0x0, s1;
	[sflag:s0] =	ssyncset.done @!p0 $0x0  }
0xa5: {  	[sflag:s0] =	ssyncadd.s32 @!p0 s1  }
0xa6: {  	[bflag:$0x3] =	sbarrier.arrive $0xFFFF  }
0xa7: {  	_ =	shalt  }

// kernel: kernel.8.cloned.1.call-start
scs
__scs_entry_jumppad:
0x0: {  	(pc) =	sbr.rel $0x88, $3  }
0x1: {  	(tag) =	ssettag $0x0;
	lr =	simm.s32 $0x1  }
0x2: {  	[smem:$0x3F99] =	sst lr;
	_ =	strace $0xD0000000  }
0x3: {  	_ = 	snop  }
0x4: {  	_ = 	snop  }
0x5: {  	_ = 	snop  }
0x6: {  	_ = 	snop  }
0x7: {  	_ = 	snop  }
__scs_overlays_trampoline_lowered:
0x8: {  	[smem:$0x3FA8] =	sst s0  }
0x9: {  	[smem:$0x3FA9] =	sst s1  }
0xa: {  	[smem:$0x3FAA] =	sst s2  }
0xb: {  	[smem:$0x3FAB] =	sst s3  }
0xc: {  	[smem:$0x3FAC] =	sst s4  }
0xd: {  	[smem:$0x3FAD] =	sst s5  }
0xe: {  	[smem:$0x3FAE] =	sst s6  }
0xf: {  	[smem:$0x3FAF] =	sst s7  }
0x10: {  	[smem:$0x3FB0] =	sst s8  }
0x11: {  	[smem:$0x3FB1] =	sst s9;
	s0 =	simm.s32 @!p0 $0x0  }
0x12: {  	s1 =	sld [smem:$0x3F97];
	s0 =	simm.s32 @p0 $0x1  }
0x13: {  	[smem:$0x3FB2] =	sst s0;
	s0 =	simm.s32 @!p1 $0x0  }
0x14: {  	s2 =	sld [smem:$0x3F96];
	s0 =	simm.s32 @p1 $0x1  }
0x15: {  	[smem:$0x3FB3] =	sst s0;
	s0 =	simm.s32 @!p2 $0x0  }
0x16: {  	s3 =	sld [smem:$0x3FDB];
	s0 =	simm.s32 @p2 $0x1  }
0x17: {  	s4 =	simm.s32 $0x1BF5;
	[smem:$0x3FB5] =	sst s0  }
0x18: {  	s0 =	sld [smem:$0x3F98];
	_ =	swait.ge [sflag:s4], $0x0  }
0x19: {  	s7 =	sld [smem:$0x3F99]  }
0x1a: {  	s8 =	sadd.s32 $0xFFFFE003, lr  }
0x1b: {  	s9 =	sadd.s32 $0xFFFFFEF7, lr;
	s5 =	simm.s32 $0xFFFFFFFF;
	p2 =	slt.u32 s8, $0xFFFFF086  }
0x1c: {  	p1 =	slt.u32 s9, $0xF7A;
	s5 =	simm.s32 @!p2 $0x0  }
0x1d: {  	s5 =	simm.s32 @p1 $0x1;
	p0 =	seq.s32 s7, s2  }
0x1e: {  	s7 =	smul.u32 @!p0 $0xF7A, s2;
	p2 =	seq.s32 @!p0 s5, $0x0  }
0x1f: {  	s9 =	smul.u32 $0xF7A, s1;
	s8 =	simm.s32 @!p0 $0x1BF5;
	p2 =	por !p2, p0  }
0x20: {  	[sflag:s8] =	ssyncset.s32 @!p0 $0xFFFFF086;
	s6 =	sadd.s32 @!p0 s3, s7;
	s7 =	simm.s32 @!p0 $0x108  }
0x21: {  	s3 =	sadd.s32 s3, s9;
	s6 =	sadd.s32 @!p0 $0x88, s6;
	s7 =	simm.s32 @p2 $0x1082  }
0x22: {  	[simem:s7], [sflag:s8] =	dma.local @!p0 [hbm:s6], $0xF7A  }
0x23: {  	s9 =	sor.u32 $0xD0000000, s2;
	s6 =	simm.s32 $0x108;
	_ =	swait.ge @!p0 [sflag:s8], $0x0  }
0x24: {  	s3 =	sadd.s32 $0x88, s3;
	s6 =	simm.s32 @!p1 $0x1082;
	[sflag:s4] =	ssyncset.s32 $0xFFFFF086  }
0x25: {  	[simem:s6], [sflag:s4] =	dma.local [hbm:s3], $0xF7A  }
0x26: {  	[smem:$0x3F99] =	sst s1;
	(tag) =	ssettag s2;
	_ =	strace s9  }
0x27: {  	s1 =	sld [smem:$0x3FA9]  }
0x28: {  	s2 =	sld [smem:$0x3FAA]  }
0x29: {  	s4 =	sld [smem:$0x3FAC]  }
0x2a: {  	p0 =	seq.s32 s5, $0x0;
	s5 =	sld [smem:$0x3FAD]  }
0x2b: {  	s6 =	sld [smem:$0x3FAE]  }
0x2c: {  	s7 =	sld [smem:$0x3FAF]  }
0x2d: {  	s3 =	simm.s32 $0x108;
	s8 =	sld [smem:$0x3FB0]  }
0x2e: {  	s3 =	simm.s32 @!p0 $0x1082;
	s9 =	sld [smem:$0x3FB1]  }
0x2f: {  	lr =	sadd.s32 s0, s3;
	s0 =	sld [smem:$0x3FA8]  }
0x30: {  	s3 =	sld [smem:$0x3FAB]  }
0x31: {  	[smem:$0x3FB4] =	sst s10  }
0x32: {  	s10 =	sld [smem:$0x3FB2];
	_ =	sdelay $0x3  }
0x33: {  	p0 =	seq.s32 s10, $0x1;
	s10 =	sld [smem:$0x3FB4];
	_ =	sdelay $0x3  }
0x34: {  	[smem:$0x3FB4] =	sst s10  }
0x35: {  	s10 =	sld [smem:$0x3FB3];
	_ =	sdelay $0x3  }
0x36: {  	p1 =	seq.s32 s10, $0x1;
	s10 =	sld [smem:$0x3FB4];
	_ =	sdelay $0x3  }
0x37: {  	[smem:$0x3FB4] =	sst s10  }
0x38: {  	s10 =	sld [smem:$0x3FB5]  }
0x39: {  	_ = 	snop;
	(pc) =	sbr.ind lr, $3  }
0x3a: {  	_ = 	snop  }
0x3b: {  	_ = 	snop  }
0x3c: {  	p2 =	seq.s32 s10, $0x1;
	s10 =	sld [smem:$0x3FB4]  }
0x3d: {  	_ =	shalt  }
0x3e: {  	_ =	shalt  }
0x3f: {  	_ =	shalt  }
0x40: {  	_ =	shalt  }
0x41: {  	_ =	shalt  }
0x42: {  	_ =	shalt  }
0x43: {  	_ =	shalt  }
0x44: {  	_ =	shalt  }
0x45: {  	_ =	shalt  }
0x46: {  	_ =	shalt  }
0x47: {  	_ =	shalt  }
0x48: {  	_ =	shalt  }
0x49: {  	_ =	shalt  }
0x4a: {  	_ =	shalt  }
0x4b: {  	_ =	shalt  }
0x4c: {  	_ =	shalt  }
0x4d: {  	_ =	shalt  }
0x4e: {  	_ =	shalt  }
0x4f: {  	_ =	shalt  }
0x50: {  	_ =	shalt  }
0x51: {  	_ =	shalt  }
0x52: {  	_ =	shalt  }
0x53: {  	_ =	shalt  }
0x54: {  	_ =	shalt  }
0x55: {  	_ =	shalt  }
0x56: {  	_ =	shalt  }
0x57: {  	_ =	shalt  }
0x58: {  	_ =	shalt  }
0x59: {  	_ =	shalt  }
0x5a: {  	_ =	shalt  }
0x5b: {  	_ =	shalt  }
0x5c: {  	_ =	shalt  }
0x5d: {  	_ =	shalt  }
0x5e: {  	_ =	shalt  }
0x5f: {  	_ =	shalt  }
0x60: {  	_ =	shalt  }
0x61: {  	_ =	shalt  }
0x62: {  	_ =	shalt  }
0x63: {  	_ =	shalt  }
0x64: {  	_ =	shalt  }
0x65: {  	_ =	shalt  }
0x66: {  	_ =	shalt  }
0x67: {  	_ =	shalt  }
0x68: {  	_ =	shalt  }
0x69: {  	_ =	shalt  }
0x6a: {  	_ =	shalt  }
0x6b: {  	_ =	shalt  }
0x6c: {  	_ =	shalt  }
0x6d: {  	_ =	shalt  }
0x6e: {  	_ =	shalt  }
0x6f: {  	_ =	shalt  }
0x70: {  	_ =	shalt  }
0x71: {  	_ =	shalt  }
0x72: {  	_ =	shalt  }
0x73: {  	_ =	shalt  }
0x74: {  	_ =	shalt  }
0x75: {  	_ =	shalt  }
0x76: {  	_ =	shalt  }
0x77: {  	_ =	shalt  }
0x78: {  	_ =	shalt  }
0x79: {  	_ =	shalt  }
0x7a: {  	_ =	shalt  }
0x7b: {  	_ =	shalt  }
0x7c: {  	_ =	shalt  }
0x7d: {  	_ =	shalt  }
0x7e: {  	_ =	shalt  }
0x7f: {  	_ =	shalt  }
0x80: {  	_ =	shalt  }
0x81: {  	_ =	shalt  }
0x82: {  	_ =	shalt  }
0x83: {  	_ =	shalt  }
0x84: {  	_ =	shalt  }
0x85: {  	_ =	shalt  }
0x86: {  	_ =	shalt  }
0x87: {  	_ =	shalt  }
.Lfunc_end0:
.L_simem_size_0:
called_computation_lowered:
.L_overlay_start_0:
0x88: {  	s2 =	sld [smem:$0x3FD9]  }
0x89: {  	s3 =	sld [smem:$0x3FFE];
	_ =	sdelay $0x1  }
0x8a: {  	s1 =	srdreg.scid  }
0x8b: {  	s0 =	sand.u32 $0x1, s1  }
0x8c: {  	s17 =	sshll.u32 s0, $0xA;
	s2 =	sadd.s32 s3, s2  }
0x8d: {  	s2 =	sadd.s32 s2, s17  }
0x8e: {  	[smem:$0x3FC0] =	sst s2  }
0x8f: {  	_ = 	snop  }
0x90: {  	s2 =	sld [smem:$0x3FD0];
	(tm) =	ssettm $0x1  }
0x91: {  	s18 =	sld [smem:$0x3FFB];
	_ =	sdelay $0x3  }
0x92: {  	_ =	strace s18  }
0x93: {  	s3 =	sld [smem:$0x3FFC];
	_ =	sdelay $0x3  }
0x94: {  	_ =	strace s3  }
0x95: {  	s3 =	sld [smem:$0x3FFD];
	_ =	sdelay $0x3  }
0x96: {  	_ =	strace s3  }
0x97: {  	_ =	strace $0x8FFFFFFF  }
0x98: {  	s19 =	sld [smem:$0x3FDB];
	_ =	sdelay $0x1  }
0x99: {  	s4 =	simm.s32 $_scs_section_size  }
0x9a: {  	s5 =	simm.s32 $_size__tile_overlayer_lowered;
	s6 =	simm.s32 $_tile_overlayer_lowered  }
0x9b: {  	s22 =	simm.s32 $0x1BFF;
	s21 =	sshll.u32 s6, $0x1;
	s3 =	sadd.s32 s4, s19  }
0x9c: {  	s7 =	simm.s32 $0x0;
	s20 =	sshll.u32 s5, $0x1;
	s5 =	sadd.s32 s21, s3  }
0x9d: {  	[timem:s7], [sflag:s22] =	dma.local [hbm:s5], s20  }
0x9e: {  	_ =	swait.ge [sflag:s22], s20  }
0x9f: {  	s4 =	ssub.s32 $0x0, s20;
	[sflag:s22] =	ssyncset.done $0x0  }
0xa0: {  	[sflag:s22] =	ssyncadd.s32 s4;
	_ =	sdelay $0x1  }
0xa1: {  	s23 =	simm.s32 $0x1B8B  }
0xa2: {  	_ =	swait.ge [sflag:s23], $0x1  }
0xa3: {  	[sflag:s23] =	ssyncset.done $0x0  }
0xa4: {  	s25 =	simm.s32 $0x1B8E;
	s24 =	sld [smem:$0x3FFE];
	[sflag:s23] =	ssyncadd.s32 $0xFFFFFFFF  }
0xa5: {  	s26 =	simm.s32 $execute0_lowered;
	[smem:$0x3FD2] =	sst s25  }
0xa6: {  	s5 =	sshll.u32 s26, $0x1;
	_ =	strace $0x80000046;
	[dreg:$0x1] =	wrdreg $0xFFFFFFFF  }
0xa7: {  	s28 =	simm.s32 $_size_execute0_lowered;
	s3 =	sadd.s32 s3, s5;
	[dreg:$0x0] =	wrdreg $0x0  }
0xa8: {  	s5 =	sshll.u32 s28, $0x1;
	[dreg:$0x2] =	wrdreg s3  }
0xa9: {  	[dreg:$0x3] =	wrdreg s5  }
0xaa: {  	[dreg:$0x4] =	wrdreg $0xC0  }
0xab: {  	_ =	task [dreg:s7], $0x5FFFF  }
0xac: {  	[dreg:$0x1] =	wrdreg $0xFFFFFFFF  }
0xad: {  	[dreg:$0x0] =	wrdreg $0x60  }
0xae: {  	[dreg:$0x2] =	wrdreg s24  }
0xaf: {  	[dreg:$0x3] =	wrdreg s2  }
0xb0: {  	[dreg:$0x4] =	wrdreg $0x41000  }
0xb1: {  	[dreg:$0x5] =	wrdreg $0x9  }
0xb2: {  	_ =	task.clear_ibuf [dreg:s7], $0x6FFFF;
	_ =	strace $0x90000046  }
0xb3: {  	s29 =	simm.s32 $0x9;
	_ =	strace $0x80000048  }
0xb4: {  	_ =	swait.ge [sflag:s29], $0x1  }
0xb5: {  	[sflag:s29] =	ssyncadd.s32 $0xFFFFFFFF  }
0xb6: {  	_ =	strace $0x90000048  }
0xb7: {  	_ =	sfence  }
0xb8: {  	s30 =	sld [smem:$0x0];
	_ =	sdelay $0x2  }
0xb9: {  	s31 =	sshll.u32 s1, $0xD;
	s1 =	sshrl.u32 s1, $0x2  }
0xba: {  	s3 =	sand.u32 $0x4000, s31;
	s1 =	sadd.s32 s1, s30  }
0xbb: {  	s0 =	sor.u32 s3, s0;
	s1 =	sshll.u32 s1, $0x11  }
0xbc: {  	s0 =	sor.u32 s1, s0  }
0xbd: {  	s0 =	sadd.s32 $0x8F2B, s0  }
0xbe: {  	[sflag:s0] =	ssyncadd.remote.s32 $0x1  }
0xbf: {  	_ =	sfence.sel $0xFFFF  }
0xc0: {  	[dreg:$0x0] =	wrdreg $0xFFFFFFFF;
	(pc) =	sbr.abs _section_cstart, $3  }
0xc1: {  	[dreg:$0x1] =	wrdreg $0xFFFFFFFF  }
0xc2: {  	_ =	task.clear_ibuf [dreg:s7], $0x2FFFF;
	_ =	strace $0x9FFFFFFF  }
0xc3: {  	(tm) =	ssettm $0x7FFFFFFF  }
tec
execute0_lowered:
.L_overlay_start_1:
0x0: {  	(tag) =	ssettag $0x1  }
0x1: {  	s6 =	rddreg [dreg:$0x0]  }
0x2: {  	s1 =	rddreg [dreg:$0x1]  }
0x3: {  	s2 =	rddreg [dreg:$0x2];
	s3 =	srdreg.scid  }
0x4: {  	s0 =	rddreg [dreg:$0x3];
	s4 =	simm.s32 $0x0;
	s7 =	sand.u32 $0x1, s3  }
0x5: {  	s18 =	simm.s32 $0x80;
	s3 =	stileid.u32;
	s8 =	smul.u32 $0x13C000, s7  }
0x6: {  	s19 =	simm.s32 $0x1;
	s20 =	simm.s32 $0x2;
	s9 =	smul.u32 $0x13C00, s3  }
0x7: {  	s21 =	simm.s32 $0x0;
	[smem:$0x7FF] =	sst s4;
	s14 =	smul.u32 $0x4F000, s3  }
0x8: {  	s5 =	sadd.s32 $0x2200, s6;
	_ =	strace $0x80000047;
	s25 =	smul.u32 $0x4F00, s3  }
0x9: {  	s11 =	ssub.s32 $0x2, s7;
	s12 =	sshll.u32 s3, $0x1;
	s28 =	smul.u32 $0x2780, s7  }
0xa: {  	s29 =	sshll.u32 s3, $0x6;
	s13 =	sshrl.u32 s11, $0x1;
	s12 =	sor.u32 s7, s12  }
0xb: {  	s7 =	sor.u32 $0x1C03, s29;
	s10 =	sshrl.u32 s8, $0x3;
	s8 =	sadd.s32 s9, s8  }
0xc: {  	s13 =	ssub.s32 s11, s13;
	s23 =	smul.u32 $0x2780, s12;
	s24 =	sshrl.u32 s14, $0x2  }
0xd: {  	s9 =	sshrl.u32 s9, $0x3;
	s30 =	sadd.s32 s28, s25;
	s10 =	sadd.s32 s10, s6  }
0xe: {  	s8 =	sshrl.u32 s8, $0x3;
	s16 =	sadd.s32 s24, s2;
	s17 =	sadd.s32 $0x180, s30  }
0xf: {  	s12 =	smax.u32 s13, $0x1;
	s14 =	sadd.s32 $0x100, s30;
	s15 =	sadd.s32 s8, s6  }
0x10: {  	s26 =	sadd.s32 s9, s10;
	s8 =	sshrl.u32 s23, $0x3;
	s31 =	sshrl.u32 s17, $0x3  }
0x11: {  	s17 =	simm.s32 $0x100;
	s6 =	sadd.s32 $0x2A00, s26;
	s8 =	sadd.s32 s1, s8  }
0x12: {  	s11 =	sadd.s32 $0x51A00, s15;
	s13 =	sadd.s32 s31, s1;
	s15 =	sshrl.u32 s16, $0x3  }
0x13: {  	s16 =	simm.s32 $0x3;
	s9 =	sadd.s32 $0x10, s8;
	s10 =	sadd.s32 $0x4E0, s8  }
.LBB2_1:
0x14: {  	[spmem:s15], [sflag:s7] =	dma.local [hbm:s6], $0x2780  }
0x15: {  	_ =	swait.ge [sflag:s16], $0x2780  }
0x16: {  	[sflag:s16] =	ssyncset.done $0x0  }
0x17: {  	[sflag:s16] =	ssyncadd.s32 $0xFFFFD880  }
0x18: {  	[tilespmem:s17], [sflag:$0x3] =	stream.linear.gather [hbm4b:s5+s4], $0x4000, $0x38;
	[tilespmem:$0x17D00] =	vst v63  }
0x19: {  	_ =	swait.ge [sflag:s16], $0x4000  }
0x1a: {  	[sflag:s16] =	ssyncset.done $0x0  }
0x1b: {  	[sflag:s16] =	ssyncadd.s32 $0xFFFFC000  }
0x1c: {  	[bflag:$0x0] =	sbarrier.arrive $0xFFFF  }
0x1d: {  	[tilespmem:s4], [sflag:$0x1] =	stream.linear.gather [hbm4b:s8+s4], $0x80, $0x38;
	[tilespmem:$0x17D00] =	vst v63  }
0x1e: {  	_ = 	snop  }
0x1f: {  	[tilespmem:s18], [sflag:$0x2] =	stream.linear.gather [hbm4b:s9+s4], $0x80, $0x38;
	[tilespmem:$0x17D00] =	vst v63  }
0x20: {  	_ =	swait.ge [sflag:s19], $0x80  }
0x21: {  	[sflag:s19] =	ssyncset.done $0x0  }
0x22: {  	[sflag:s19] =	ssyncadd.s32 $0xFFFFFF80  }
0x23: {  	[spmem:s2] =	stream.indirect.scatter.add.f32 [tilespmem:s17], [sflag:$0x3], $0x80, s4, s18, $0xb8;
	[tilespmem:$0x17D00] =	vst v63  }
0x24: {  	_ =	swait.ge [sflag:s16], $0x4000  }
0x25: {  	s22 =	sshrl.u32 s14, $0x3;
	[sflag:s16] =	ssyncset.done $0x0  }
0x26: {  	s22 =	sadd.s32 s1, s22;
	[sflag:s16] =	ssyncadd.s32 $0xFFFFC000  }
0x27: {  	[tilespmem:s4], [sflag:$0x1] =	stream.linear.gather [hbm4b:s22+s4], $0x80, $0x38;
	[tilespmem:$0x17D00] =	vst v63  }
0x28: {  	_ =	swait.ge [sflag:s20], $0x80  }
0x29: {  	[sflag:s20] =	ssyncset.done $0x0  }
0x2a: {  	[sflag:s20] =	ssyncadd.s32 $0xFFFFFF80  }
0x2b: {  	[spmem:s2] =	stream.indirect.scatter.add.f32 [tilespmem:s17], [sflag:$0x3], $0x80, s18, s18, $0xb8;
	[tilespmem:$0x17D00] =	vst v63  }
0x2c: {  	_ =	swait.ge [sflag:s16], $0x4000  }
0x2d: {  	s24 =	sadd.s32 $0x0, s13;
	[sflag:s16] =	ssyncset.done $0x0  }
0x2e: {  	s23 =	sadd.s32 $0x100, s14;
	s22 =	simm.s32 $0x20;
	[sflag:s16] =	ssyncadd.s32 $0xFFFFC000  }
.LBB2_2:
0x2f: {  	[tilespmem:s18], [sflag:$0x2] =	stream.linear.gather [hbm4b:s24+s4], $0x80, $0x38;
	[tilespmem:$0x17D00] =	vst v63  }
0x30: {  	s24 =	smov.u32 s22  }
0x31: {  	p0 =	sne.s32 s22, $0x4A0;
	s22 =	sadd.s32 $0x20, s22;
	_ =	swait.ge [sflag:s19], $0x80  }
0x32: {  	[sflag:s19] =	ssyncset.done $0x0  }
0x33: {  	[sflag:s19] =	ssyncadd.s32 $0xFFFFFF80  }
0x34: {  	[spmem:s2] =	stream.indirect.scatter.add.f32 [tilespmem:s17], [sflag:$0x3], $0x80, s4, s18, $0xb8;
	[tilespmem:$0x17D00] =	vst v63  }
0x35: {  	_ =	swait.ge [sflag:s16], $0x4000  }
0x36: {  	s25 =	sshrl.u32 s23, $0x3;
	[sflag:s16] =	ssyncset.done $0x0  }
0x37: {  	s25 =	sadd.s32 s1, s25;
	[sflag:s16] =	ssyncadd.s32 $0xFFFFC000  }
0x38: {  	[tilespmem:s4], [sflag:$0x1] =	stream.linear.gather [hbm4b:s25+s4], $0x80, $0x38;
	[tilespmem:$0x17D00] =	vst v63  }
0x39: {  	_ =	swait.ge [sflag:s20], $0x80  }
0x3a: {  	[sflag:s20] =	ssyncset.done $0x0  }
.Ltmp0:
0x3b: {  	[sflag:s20] =	ssyncadd.s32 $0xFFFFFF80;
	(pc) =	sbr.rel @p0 .LBB2_2-.Ltmp0, $4  }
0x3c: {  	[spmem:s2] =	stream.indirect.scatter.add.f32 [tilespmem:s17], [sflag:$0x3], $0x80, s18, s18, $0xb8;
	[tilespmem:$0x17D00] =	vst v63  }
0x3d: {  	_ =	swait.ge [sflag:s16], $0x4000  }
0x3e: {  	[sflag:s16] =	ssyncset.done $0x0  }
0x3f: {  	s23 =	sadd.s32 $0x100, s23;
	s24 =	sadd.s32 s24, s13;
	[sflag:s16] =	ssyncadd.s32 $0xFFFFC000  }
0x40: {  	[tilespmem:s18], [sflag:$0x2] =	stream.linear.gather [hbm4b:s24+s4], $0x80, $0x38;
	[tilespmem:$0x17D00] =	vst v63  }
0x41: {  	_ =	swait.ge [sflag:s19], $0x80  }
0x42: {  	[sflag:s19] =	ssyncset.done $0x0  }
0x43: {  	[sflag:s19] =	ssyncadd.s32 $0xFFFFFF80  }
0x44: {  	[spmem:s2] =	stream.indirect.scatter.add.f32 [tilespmem:s17], [sflag:$0x3], $0x80, s4, s18, $0xb8;
	[tilespmem:$0x17D00] =	vst v63  }
0x45: {  	_ =	swait.ge [sflag:s16], $0x4000  }
0x46: {  	[sflag:s16] =	ssyncset.done $0x0  }
0x47: {  	[sflag:s16] =	ssyncadd.s32 $0xFFFFC000  }
0x48: {  	[tilespmem:s4], [sflag:$0x1] =	stream.linear.gather [hbm4b:s10+s4], $0x80, $0x38;
	[tilespmem:$0x17D00] =	vst v63  }
0x49: {  	_ =	swait.ge [sflag:s20], $0x80  }
0x4a: {  	[sflag:s20] =	ssyncset.done $0x0  }
0x4b: {  	[sflag:s20] =	ssyncadd.s32 $0xFFFFFF80  }
0x4c: {  	[spmem:s2] =	stream.indirect.scatter.add.f32 [tilespmem:s17], [sflag:$0x3], $0x80, s18, s18, $0xb8;
	[tilespmem:$0x17D00] =	vst v63  }
0x4d: {  	_ =	swait.ge [sflag:s16], $0x4000  }
0x4e: {  	[sflag:s16] =	ssyncset.done $0x0  }
0x4f: {  	[sflag:s16] =	ssyncadd.s32 $0xFFFFC000  }
0x50: {  	_ =	swait.ge [sflag:s19], $0x80  }
0x51: {  	[sflag:s19] =	ssyncset.done $0x0  }
0x52: {  	[sflag:s19] =	ssyncadd.s32 $0xFFFFFF80  }
0x53: {  	[spmem:s2] =	stream.indirect.scatter.add.f32 [tilespmem:s17], [sflag:$0x3], $0x80, s4, s18, $0xb8;
	[tilespmem:$0x17D00] =	vst v63  }
0x54: {  	_ =	swait.ge [sflag:s16], $0x4000  }
0x55: {  	s21 =	sadd.s32 $0x1, s21;
	[sflag:s16] =	ssyncset.done $0x0  }
0x56: {  	p0 =	sne.s32 s21, s12;
	[sflag:s16] =	ssyncadd.s32 $0xFFFFC000  }
.Ltmp1:
0x57: {  	[bflag:$0x0] =	sbarrier.arrive $0xFFFF;
	(pc) =	sbr.rel @p0 .LBB2_1-.Ltmp1, $4  }
0x58: {  	[hbm:s11], [sflag:s7] =	dma.local [spmem:s15], $0x2780  }
0x59: {  	_ =	swait.ge [sflag:s16], $0x2780  }
0x5a: {  	[sflag:s16] =	ssyncset.done $0x0  }
0x5b: {  	[sflag:s16] =	ssyncadd.s32 $0xFFFFD880  }
0x5c: {  	_ =	sfence.sel $0x180000  }
0x5d: {  	[bflag:$0x0] =	sbarrier.arrive $0xFFFF  }
0x5e: {  	p0 =	sne.s32 s3, $0x0;
	_ =	strace $0x90000047  }
0x5f: {  	s0 =	sadd.s32 @!p0 $0x100000, s0;
	[bflag:$0x2] =	sbarrier.arrive $0xFFFF  }
0x60: {  	[sflag:s0] =	ssyncadd.tile.s32 @!p0 $0x1;
	_ =	shalt  }
.Lfunc_end2:
_tile_overlayer_lowered:
.L_overlay_start_2:
0x61: {  	(tag) =	ssettag $0x2  }
0x62: {  	s0 =	rddreg [dreg:$0x0];
	s2 =	stileid.u32  }
0x63: {  	s1 =	rddreg [dreg:$0x1];
	p0 =	sne.s32 s2, $0x0  }
0x64: {  	s3 =	rddreg [dreg:$0x2];
	[bflag:$0x3] =	sbarrier.arrive $0xFFFF;
	s2 =	simm.s32 @!p0 $0x1C03  }
0x65: {  	[timem:s3], [sflag:s2] =	dma.local @!p0 [hbm:s0], s1  }
0x66: {  	s0 =	simm.s32 @!p0 $0x3  }
0x67: {  	_ =	swait.ge @!p0 [sflag:s0], s1  }
0x68: {  	s1 =	ssub.s32 @!p0 $0x0, s1;
	[sflag:s0] =	ssyncset.done @!p0 $0x0  }
0x69: {  	[sflag:s0] =	ssyncadd.s32 @!p0 s1  }
0x6a: {  	[bflag:$0x3] =	sbarrier.arrive $0xFFFF  }
0x6b: {  	_ =	shalt  }

</sc_bundles>
